<compile_context>
chip_gen: v7x
topology: tpu7x:2x2x1
jax: 0.10.2.dev20260603
libtpu: 0.0.44.dev20260713+nightly
codegen_flags: <defaults>
</compile_context>

<pallas_src>
import jax
import jax.numpy as jnp
from jax import lax
from jax.experimental import pallas as pl
from jax.experimental.pallas import tpu as pltpu
from jax.experimental.pallas import tpu_sc as plsc

_NC, _NS = 2, 16
_NW = _NC * _NS


def _make_body(L, D, spw):
    def body(xc_hbm, tbl_hbm, out_hbm, xv0, xv1, buf0, buf1,
             sin0, sin1, sout0, sout1):
        xvs = (xv0, xv1)
        bufs = (buf0, buf1)
        sins = (sin0, sin1)
        souts = (sout0, sout1)
        wid = lax.axis_index("s") * _NC + lax.axis_index("c")
        base = wid * spw

        def in_copy(m, j):
            return pltpu.make_async_copy(xc_hbm.at[base + j], xvs[m], sins[m])

        def out_copy(h, j):
            return pltpu.make_async_copy(
                bufs[h], out_hbm.at[2 * (base + j) + h], souts[h])

        def assemble(m, h):
            def rowpair(i, carry):
                for k in range(4):
                    bufs[h][2 * i, pl.ds(16 * k, 16)] = \
                        xvs[m][100 * h + i, pl.ds(16 * k, 16)]
                for k in range(4):
                    bufs[h][2 * i + 1, pl.ds(16 * k, 16)] = \
                        xvs[m][100 * h + i, pl.ds(D + 16 * k, 16)]
                return carry
            lax.fori_loop(0, L // 2, rowpair, 0)

        for h in range(2):
            pltpu.sync_copy(tbl_hbm, bufs[h])
        for m in range(2):
            in_copy(m, m).start()

        def slabs(c, carry):
            for m in range(2):
                j = 2 * c + m
                in_copy(m, j).wait()
                for h in range(2):
                    @pl.when(j > 0)
                    def _():
                        out_copy(h, j - 1).wait()
                    assemble(m, h)
                    out_copy(h, j).start()

                @pl.when(j + 2 < spw)
                def _():
                    in_copy(m, j + 2).start()
            return carry

        lax.fori_loop(0, spw // 2, slabs, 0)
        for h in range(2):
            out_copy(h, spw - 1).wait()

    return body


def kernel(x, position_table):
    B, L, D = x.shape
    spw = (B // 2) // _NW
    tbl = jnp.concatenate(
        [jnp.zeros((L, D), x.dtype), position_table[:L]], axis=-1)
    packed = x.reshape(B // 2, L, 2 * D)
    mesh = plsc.VectorSubcoreMesh(core_axis_name="c", subcore_axis_name="s")
    f = pl.kernel(
        _make_body(L, D, spw),
        out_type=jax.ShapeDtypeStruct((B, L, 2 * D), x.dtype),
        mesh=mesh,
        scratch_types=(
            [pltpu.VMEM((L, 2 * D), x.dtype) for _ in range(4)]
            + [pltpu.SemaphoreType.DMA for _ in range(4)]
        ),
        compiler_params=pltpu.CompilerParams(use_tc_tiling_on_sc=True),
    )
    return f(packed, tbl)

# --- scband reference (transcript-rebuilt; emitter-appended) ---
"""Pipeline reference for scband-concat-position-16922171147058 (READ-ONLY COPY).

The authoritative reference and input builder live on the scoring server;
editing this copy changes nothing except your own understanding.
"""

import jax, jax.numpy as jnp
import numpy as np


def setup_inputs(seed: int = 0) -> dict:
    key = jax.random.key(seed)
    k1, k2 = jax.random.split(key)
    x = jax.random.normal(k1, (4096, 200, 64), dtype=jnp.float32)
    # position_table: nn.Parameter init normal(0.0, 0.1), shape (num_position + 2, d_position)
    position_table = 0.1 * jax.random.normal(k2, (202, 64), dtype=jnp.float32)
    return {"x": x, "position_table": position_table}


def reference(x, position_table):
    B, L = x.shape[0], x.shape[1]
    position = position_table[None, :L, :]
    position = jnp.broadcast_to(position, (B, L, position.shape[2]))
    x_positions = jnp.concatenate((x, position), axis=-1)
    return x_positions

if __name__ == "__main__":
    import jax
    _d = setup_inputs()
    print(jax.jit(kernel)(*tuple(_d.values())))

</pallas_src>

<mosaic_0001>
#map = affine_map<(d0, d1) -> (0, 0, 0)>
#map1 = affine_map<(d0, d1) -> (0, 0)>
module attributes {stable_mosaic.version = 14 : i64} {
  func.func @body(%arg0: i32, %arg1: i32, %arg2: memref<2048x200x128xf32, #tpu.memory_space<hbm>>, %arg3: memref<200x128xf32, #tpu.memory_space<hbm>>, %arg4: memref<4096x200x128xf32, #tpu.memory_space<hbm>>, %arg5: memref<200x128xf32, #tpu.memory_space<vmem>>, %arg6: memref<200x128xf32, #tpu.memory_space<vmem>>, %arg7: memref<200x128xf32, #tpu.memory_space<vmem>>, %arg8: memref<200x128xf32, #tpu.memory_space<vmem>>, %arg9: memref<!tpu.dma_semaphore, #tpu.memory_space<semaphore_mem>>, %arg10: memref<!tpu.dma_semaphore, #tpu.memory_space<semaphore_mem>>, %arg11: memref<!tpu.dma_semaphore, #tpu.memory_space<semaphore_mem>>, %arg12: memref<!tpu.dma_semaphore, #tpu.memory_space<semaphore_mem>>) attributes {dimension_semantics = [#tpu.dimension_semantics<core_parallel>, #tpu.dimension_semantics<subcore_parallel>], iteration_bounds = array<i64: 2, 16>, scalar_prefetch = 0 : i64, scratch_operands = 8 : i64, tpu.core_type = #tpu.core_type<sc_vector_subcore>, window_params = [{transform_indices = #map}, {transform_indices = #map1}, {transform_indices = #map}]} {
    %mul3A = arith.constant 2 : i32
    %mul3A_0 = arith.muli %arg1, %mul3A : i32
    %add3A = arith.addi %mul3A_0, %arg0 : i32
    %mul3A_1 = arith.constant 64 : i32
    %mul3A_2 = arith.muli %add3A, %mul3A_1 : i32
    "tpu.region"() ({
      %run_scoped3A = tpu.sem_alloc : memref<!tpu.dma_semaphore, #tpu.memory_space<semaphore_mem>>
      tpu.enqueue_dma source(%arg3 : memref<200x128xf32, #tpu.memory_space<hbm>>) target(%arg7 : memref<200x128xf32, #tpu.memory_space<vmem>>) target_semaphore(%run_scoped3A : memref<!tpu.dma_semaphore, #tpu.memory_space<semaphore_mem>>)
      tpu.wait_dma2 semaphore(%run_scoped3A : memref<!tpu.dma_semaphore, #tpu.memory_space<semaphore_mem>>) src(%arg3 : memref<200x128xf32, #tpu.memory_space<hbm>>) dst(%arg7 : memref<200x128xf32, #tpu.memory_space<vmem>>)
      tpu.yield
    }) : () -> ()
    "tpu.region"() ({
      %run_scoped3A = tpu.sem_alloc : memref<!tpu.dma_semaphore, #tpu.memory_space<semaphore_mem>>
      tpu.enqueue_dma source(%arg3 : memref<200x128xf32, #tpu.memory_space<hbm>>) target(%arg8 : memref<200x128xf32, #tpu.memory_space<vmem>>) target_semaphore(%run_scoped3A : memref<!tpu.dma_semaphore, #tpu.memory_space<semaphore_mem>>)
      tpu.wait_dma2 semaphore(%run_scoped3A : memref<!tpu.dma_semaphore, #tpu.memory_space<semaphore_mem>>) src(%arg3 : memref<200x128xf32, #tpu.memory_space<hbm>>) dst(%arg8 : memref<200x128xf32, #tpu.memory_space<vmem>>)
      tpu.yield
    }) : () -> ()
    %add3A_3 = arith.constant 0 : i32
    %add3A_4 = arith.addi %mul3A_2, %add3A_3 : i32
    %dma_start3A = arith.constant 0 : i32
    %dma_start3A_5 = arith.constant 0 : i32
    %dma_start3A_6 = tpu.memref_slice %arg2[%add3A_4, %dma_start3A, %dma_start3A_5] : memref<2048x200x128xf32, #tpu.memory_space<hbm>> -> memref<1x200x128xf32, #tpu.memory_space<hbm>>
    %dma_start3A_7 = tpu.memref_squeeze %dma_start3A_6 : memref<1x200x128xf32, #tpu.memory_space<hbm>> -> memref<200x128xf32, #tpu.memory_space<hbm>>
    %dma_start3A_8 = arith.constant 0 : i32
    %dma_start3A_9 = arith.constant 0 : i32
    %dma_start3A_10 = tpu.memref_slice %arg2[%add3A_4, %dma_start3A_8, %dma_start3A_9] : memref<2048x200x128xf32, #tpu.memory_space<hbm>> -> memref<1x200x128xf32, #tpu.memory_space<hbm>>
    %dma_start3A_11 = tpu.memref_squeeze %dma_start3A_10 : memref<1x200x128xf32, #tpu.memory_space<hbm>> -> memref<200x128xf32, #tpu.memory_space<hbm>>
    tpu.enqueue_dma source(%dma_start3A_11 : memref<200x128xf32, #tpu.memory_space<hbm>>) target(%arg5 : memref<200x128xf32, #tpu.memory_space<vmem>>) target_semaphore(%arg9 : memref<!tpu.dma_semaphore, #tpu.memory_space<semaphore_mem>>)
    %add3A_12 = arith.constant 1 : i32
    %add3A_13 = arith.addi %mul3A_2, %add3A_12 : i32
    %dma_start3A_14 = arith.constant 0 : i32
    %dma_start3A_15 = arith.constant 0 : i32
    %dma_start3A_16 = tpu.memref_slice %arg2[%add3A_13, %dma_start3A_14, %dma_start3A_15] : memref<2048x200x128xf32, #tpu.memory_space<hbm>> -> memref<1x200x128xf32, #tpu.memory_space<hbm>>
    %dma_start3A_17 = tpu.memref_squeeze %dma_start3A_16 : memref<1x200x128xf32, #tpu.memory_space<hbm>> -> memref<200x128xf32, #tpu.memory_space<hbm>>
    %dma_start3A_18 = arith.constant 0 : i32
    %dma_start3A_19 = arith.constant 0 : i32
    %dma_start3A_20 = tpu.memref_slice %arg2[%add3A_13, %dma_start3A_18, %dma_start3A_19] : memref<2048x200x128xf32, #tpu.memory_space<hbm>> -> memref<1x200x128xf32, #tpu.memory_space<hbm>>
    %dma_start3A_21 = tpu.memref_squeeze %dma_start3A_20 : memref<1x200x128xf32, #tpu.memory_space<hbm>> -> memref<200x128xf32, #tpu.memory_space<hbm>>
    tpu.enqueue_dma source(%dma_start3A_21 : memref<200x128xf32, #tpu.memory_space<hbm>>) target(%arg6 : memref<200x128xf32, #tpu.memory_space<vmem>>) target_semaphore(%arg10 : memref<!tpu.dma_semaphore, #tpu.memory_space<semaphore_mem>>)
    %scan3A = arith.constant 0 : i32
    %scan3A_22 = arith.constant 0 : i32
    %scan3A_23 = arith.constant 32 : i32
    %scan3A_24 = arith.addi %scan3A_22, %scan3A_23 : i32
    %scan3A_25 = arith.constant 1 : i32
    scf.for %scan3A_54 = %scan3A_22 to %scan3A_24 step %scan3A_25  : i32 {
      %mul3A_55 = arith.constant 2 : i32
      %mul3A_56 = arith.muli %mul3A_55, %scan3A_54 : i32
      %add3A_57 = arith.constant 0 : i32
      %add3A_58 = arith.addi %mul3A_56, %add3A_57 : i32
      %add3A_59 = arith.addi %mul3A_2, %add3A_58 : i32
      %dma_wait3A_60 = arith.constant 0 : i32
      %dma_wait3A_61 = arith.constant 0 : i32
      %dma_wait3A_62 = tpu.memref_slice %arg2[%add3A_59, %dma_wait3A_60, %dma_wait3A_61] : memref<2048x200x128xf32, #tpu.memory_space<hbm>> -> memref<1x200x128xf32, #tpu.memory_space<hbm>>
      %dma_wait3A_63 = tpu.memref_squeeze %dma_wait3A_62 : memref<1x200x128xf32, #tpu.memory_space<hbm>> -> memref<200x128xf32, #tpu.memory_space<hbm>>
      %dma_wait3A_64 = arith.constant 0 : i32
      %dma_wait3A_65 = arith.constant 0 : i32
      %dma_wait3A_66 = tpu.memref_slice %arg2[%add3A_59, %dma_wait3A_64, %dma_wait3A_65] : memref<2048x200x128xf32, #tpu.memory_space<hbm>> -> memref<1x200x128xf32, #tpu.memory_space<hbm>>
      %dma_wait3A_67 = tpu.memref_squeeze %dma_wait3A_66 : memref<1x200x128xf32, #tpu.memory_space<hbm>> -> memref<200x128xf32, #tpu.memory_space<hbm>>
      tpu.wait_dma2 semaphore(%arg9 : memref<!tpu.dma_semaphore, #tpu.memory_space<semaphore_mem>>) src(%dma_wait3A_67 : memref<200x128xf32, #tpu.memory_space<hbm>>) dst(%arg5 : memref<200x128xf32, #tpu.memory_space<vmem>>)
      %gt3A = arith.constant 0 : i32
      %gt3A_68 = arith.cmpi sgt, %add3A_58, %gt3A : i32
      %convert_element_type3A = arith.extui %gt3A_68 : i1 to i32
      %cond3A = arith.constant 0 : i32
      %cond3A_69 = arith.cmpi ne, %convert_element_type3A, %cond3A : i32
      scf.if %cond3A_69 {
        %sub3A = arith.constant 1 : i32
        %sub3A_187 = arith.subi %add3A_58, %sub3A : i32
        %add3A_188 = arith.addi %mul3A_2, %sub3A_187 : i32
        %mul3A_189 = arith.constant 2 : i32
        %mul3A_190 = arith.muli %mul3A_189, %add3A_188 : i32
        %add3A_191 = arith.constant 0 : i32
        %add3A_192 = arith.addi %mul3A_190, %add3A_191 : i32
        %dma_wait3A_193 = arith.constant 0 : i32
        %dma_wait3A_194 = arith.constant 0 : i32
        %dma_wait3A_195 = tpu.memref_slice %arg4[%add3A_192, %dma_wait3A_193, %dma_wait3A_194] : memref<4096x200x128xf32, #tpu.memory_space<hbm>> -> memref<1x200x128xf32, #tpu.memory_space<hbm>>
        %dma_wait3A_196 = tpu.memref_squeeze %dma_wait3A_195 : memref<1x200x128xf32, #tpu.memory_space<hbm>> -> memref<200x128xf32, #tpu.memory_space<hbm>>
        %dma_wait3A_197 = arith.constant 0 : i32
        %dma_wait3A_198 = arith.constant 0 : i32
        %dma_wait3A_199 = tpu.memref_slice %arg4[%add3A_192, %dma_wait3A_197, %dma_wait3A_198] : memref<4096x200x128xf32, #tpu.memory_space<hbm>> -> memref<1x200x128xf32, #tpu.memory_space<hbm>>
        %dma_wait3A_200 = tpu.memref_squeeze %dma_wait3A_199 : memref<1x200x128xf32, #tpu.memory_space<hbm>> -> memref<200x128xf32, #tpu.memory_space<hbm>>
        tpu.wait_dma2 semaphore(%arg11 : memref<!tpu.dma_semaphore, #tpu.memory_space<semaphore_mem>>) src(%arg7 : memref<200x128xf32, #tpu.memory_space<vmem>>) dst(%dma_wait3A_200 : memref<200x128xf32, #tpu.memory_space<hbm>>)
      } else {
      }
      %scan3A_70 = arith.constant 0 : i32
      %scan3A_71 = arith.constant 0 : i32
      %scan3A_72 = arith.constant 100 : i32
      %scan3A_73 = arith.addi %scan3A_71, %scan3A_72 : i32
      %scan3A_74 = arith.constant 1 : i32
      scf.for %scan3A_187 = %scan3A_71 to %scan3A_73 step %scan3A_74  : i32 {
        %add3A_188 = arith.constant 0 : i32
        %add3A_189 = arith.addi %add3A_188, %scan3A_187 : i32
        %get3A = arith.index_cast %add3A_189 : i32 to index
        %get3A_190 = arith.constant 0 : index
        %get3A_191 = tpu.vector_load %arg5[%get3A, %get3A_190] {strides = array<i32>} : memref<200x128xf32, #tpu.memory_space<vmem>>, vector<1x16xf32>,
        %get3A_192 = vector.shape_cast %get3A_191 : vector<1x16xf32> to vector<16xf32>
        %mul3A_193 = arith.constant 2 : i32
        %mul3A_194 = arith.muli %mul3A_193, %scan3A_187 : i32
        %swap3A = arith.index_cast %mul3A_194 : i32 to index
        %swap3A_195 = arith.constant 0 : index
        %swap3A_196 = tpu.vector_load %arg7[%swap3A, %swap3A_195] {strides = array<i32>} : memref<200x128xf32, #tpu.memory_space<vmem>>, vector<1x16xf32>,
        %swap3A_197 = vector.shape_cast %swap3A_196 : vector<1x16xf32> to vector<16xf32>
        %swap3A_198 = vector.shape_cast %get3A_192 : vector<16xf32> to vector<1x16xf32>
        tpu.vector_store %arg7[%swap3A, %swap3A_195], %swap3A_198 {strides = array<i32>} : memref<200x128xf32, #tpu.memory_space<vmem>>, vector<1x16xf32>,
        %add3A_199 = arith.constant 0 : i32
        %add3A_200 = arith.addi %add3A_199, %scan3A_187 : i32
        %get3A_201 = arith.index_cast %add3A_200 : i32 to index
        %get3A_202 = arith.constant 16 : index
        %get3A_203 = tpu.vector_load %arg5[%get3A_201, %get3A_202] {strides = array<i32>} : memref<200x128xf32, #tpu.memory_space<vmem>>, vector<1x16xf32>,
        %get3A_204 = vector.shape_cast %get3A_203 : vector<1x16xf32> to vector<16xf32>
        %mul3A_205 = arith.constant 2 : i32
        %mul3A_206 = arith.muli %mul3A_205, %scan3A_187 : i32
        %swap3A_207 = arith.index_cast %mul3A_206 : i32 to index
        %swap3A_208 = arith.constant 16 : index
        %swap3A_209 = tpu.vector_load %arg7[%swap3A_207, %swap3A_208] {strides = array<i32>} : memref<200x128xf32, #tpu.memory_space<vmem>>, vector<1x16xf32>,
        %swap3A_210 = vector.shape_cast %swap3A_209 : vector<1x16xf32> to vector<16xf32>
        %swap3A_211 = vector.shape_cast %get3A_204 : vector<16xf32> to vector<1x16xf32>
        tpu.vector_store %arg7[%swap3A_207, %swap3A_208], %swap3A_211 {strides = array<i32>} : memref<200x128xf32, #tpu.memory_space<vmem>>, vector<1x16xf32>,
        %add3A_212 = arith.constant 0 : i32
        %add3A_213 = arith.addi %add3A_212, %scan3A_187 : i32
        %get3A_214 = arith.index_cast %add3A_213 : i32 to index
        %get3A_215 = arith.constant 32 : index
        %get3A_216 = tpu.vector_load %arg5[%get3A_214, %get3A_215] {strides = array<i32>} : memref<200x128xf32, #tpu.memory_space<vmem>>, vector<1x16xf32>,
        %get3A_217 = vector.shape_cast %get3A_216 : vector<1x16xf32> to vector<16xf32>
        %mul3A_218 = arith.constant 2 : i32
        %mul3A_219 = arith.muli %mul3A_218, %scan3A_187 : i32
        %swap3A_220 = arith.index_cast %mul3A_219 : i32 to index
        %swap3A_221 = arith.constant 32 : index
        %swap3A_222 = tpu.vector_load %arg7[%swap3A_220, %swap3A_221] {strides = array<i32>} : memref<200x128xf32, #tpu.memory_space<vmem>>, vector<1x16xf32>,
        %swap3A_223 = vector.shape_cast %swap3A_222 : vector<1x16xf32> to vector<16xf32>
        %swap3A_224 = vector.shape_cast %get3A_217 : vector<16xf32> to vector<1x16xf32>
        tpu.vector_store %arg7[%swap3A_220, %swap3A_221], %swap3A_224 {strides = array<i32>} : memref<200x128xf32, #tpu.memory_space<vmem>>, vector<1x16xf32>,
        %add3A_225 = arith.constant 0 : i32
        %add3A_226 = arith.addi %add3A_225, %scan3A_187 : i32
        %get3A_227 = arith.index_cast %add3A_226 : i32 to index
        %get3A_228 = arith.constant 48 : index
        %get3A_229 = tpu.vector_load %arg5[%get3A_227, %get3A_228] {strides = array<i32>} : memref<200x128xf32, #tpu.memory_space<vmem>>, vector<1x16xf32>,
        %get3A_230 = vector.shape_cast %get3A_229 : vector<1x16xf32> to vector<16xf32>
        %mul3A_231 = arith.constant 2 : i32
        %mul3A_232 = arith.muli %mul3A_231, %scan3A_187 : i32
        %swap3A_233 = arith.index_cast %mul3A_232 : i32 to index
        %swap3A_234 = arith.constant 48 : index
        %swap3A_235 = tpu.vector_load %arg7[%swap3A_233, %swap3A_234] {strides = array<i32>} : memref<200x128xf32, #tpu.memory_space<vmem>>, vector<1x16xf32>,
        %swap3A_236 = vector.shape_cast %swap3A_235 : vector<1x16xf32> to vector<16xf32>
        %swap3A_237 = vector.shape_cast %get3A_230 : vector<16xf32> to vector<1x16xf32>
        tpu.vector_store %arg7[%swap3A_233, %swap3A_234], %swap3A_237 {strides = array<i32>} : memref<200x128xf32, #tpu.memory_space<vmem>>, vector<1x16xf32>,
        %add3A_238 = arith.constant 0 : i32
        %add3A_239 = arith.addi %add3A_238, %scan3A_187 : i32
        %get3A_240 = arith.index_cast %add3A_239 : i32 to index
        %get3A_241 = arith.constant 64 : index
        %get3A_242 = tpu.vector_load %arg5[%get3A_240, %get3A_241] {strides = array<i32>} : memref<200x128xf32, #tpu.memory_space<vmem>>, vector<1x16xf32>,
        %get3A_243 = vector.shape_cast %get3A_242 : vector<1x16xf32> to vector<16xf32>
        %mul3A_244 = arith.constant 2 : i32
        %mul3A_245 = arith.muli %mul3A_244, %scan3A_187 : i32
        %add3A_246 = arith.constant 1 : i32
        %add3A_247 = arith.addi %mul3A_245, %add3A_246 : i32
        %swap3A_248 = arith.index_cast %add3A_247 : i32 to index
        %swap3A_249 = arith.constant 0 : index
        %swap3A_250 = tpu.vector_load %arg7[%swap3A_248, %swap3A_249] {strides = array<i32>} : memref<200x128xf32, #tpu.memory_space<vmem>>, vector<1x16xf32>,
        %swap3A_251 = vector.shape_cast %swap3A_250 : vector<1x16xf32> to vector<16xf32>
        %swap3A_252 = vector.shape_cast %get3A_243 : vector<16xf32> to vector<1x16xf32>
        tpu.vector_store %arg7[%swap3A_248, %swap3A_249], %swap3A_252 {strides = array<i32>} : memref<200x128xf32, #tpu.memory_space<vmem>>, vector<1x16xf32>,
        %add3A_253 = arith.constant 0 : i32
        %add3A_254 = arith.addi %add3A_253, %scan3A_187 : i32
        %get3A_255 = arith.index_cast %add3A_254 : i32 to index
        %get3A_256 = arith.constant 80 : index
        %get3A_257 = tpu.vector_load %arg5[%get3A_255, %get3A_256] {strides = array<i32>} : memref<200x128xf32, #tpu.memory_space<vmem>>, vector<1x16xf32>,
        %get3A_258 = vector.shape_cast %get3A_257 : vector<1x16xf32> to vector<16xf32>
        %mul3A_259 = arith.constant 2 : i32
        %mul3A_260 = arith.muli %mul3A_259, %scan3A_187 : i32
        %add3A_261 = arith.constant 1 : i32
        %add3A_262 = arith.addi %mul3A_260, %add3A_261 : i32
        %swap3A_263 = arith.index_cast %add3A_262 : i32 to index
        %swap3A_264 = arith.constant 16 : index
        %swap3A_265 = tpu.vector_load %arg7[%swap3A_263, %swap3A_264] {strides = array<i32>} : memref<200x128xf32, #tpu.memory_space<vmem>>, vector<1x16xf32>,
        %swap3A_266 = vector.shape_cast %swap3A_265 : vector<1x16xf32> to vector<16xf32>
        %swap3A_267 = vector.shape_cast %get3A_258 : vector<16xf32> to vector<1x16xf32>
        tpu.vector_store %arg7[%swap3A_263, %swap3A_264], %swap3A_267 {strides = array<i32>} : memref<200x128xf32, #tpu.memory_space<vmem>>, vector<1x16xf32>,
        %add3A_268 = arith.constant 0 : i32
        %add3A_269 = arith.addi %add3A_268, %scan3A_187 : i32
        %get3A_270 = arith.index_cast %add3A_269 : i32 to index
        %get3A_271 = arith.constant 96 : index
        %get3A_272 = tpu.vector_load %arg5[%get3A_270, %get3A_271] {strides = array<i32>} : memref<200x128xf32, #tpu.memory_space<vmem>>, vector<1x16xf32>,
        %get3A_273 = vector.shape_cast %get3A_272 : vector<1x16xf32> to vector<16xf32>
        %mul3A_274 = arith.constant 2 : i32
        %mul3A_275 = arith.muli %mul3A_274, %scan3A_187 : i32
        %add3A_276 = arith.constant 1 : i32
        %add3A_277 = arith.addi %mul3A_275, %add3A_276 : i32
        %swap3A_278 = arith.index_cast %add3A_277 : i32 to index
        %swap3A_279 = arith.constant 32 : index
        %swap3A_280 = tpu.vector_load %arg7[%swap3A_278, %swap3A_279] {strides = array<i32>} : memref<200x128xf32, #tpu.memory_space<vmem>>, vector<1x16xf32>,
        %swap3A_281 = vector.shape_cast %swap3A_280 : vector<1x16xf32> to vector<16xf32>
        %swap3A_282 = vector.shape_cast %get3A_273 : vector<16xf32> to vector<1x16xf32>
        tpu.vector_store %arg7[%swap3A_278, %swap3A_279], %swap3A_282 {strides = array<i32>} : memref<200x128xf32, #tpu.memory_space<vmem>>, vector<1x16xf32>,
        %add3A_283 = arith.constant 0 : i32
        %add3A_284 = arith.addi %add3A_283, %scan3A_187 : i32
        %get3A_285 = arith.index_cast %add3A_284 : i32 to index
        %get3A_286 = arith.constant 112 : index
        %get3A_287 = tpu.vector_load %arg5[%get3A_285, %get3A_286] {strides = array<i32>} : memref<200x128xf32, #tpu.memory_space<vmem>>, vector<1x16xf32>,
        %get3A_288 = vector.shape_cast %get3A_287 : vector<1x16xf32> to vector<16xf32>
        %mul3A_289 = arith.constant 2 : i32
        %mul3A_290 = arith.muli %mul3A_289, %scan3A_187 : i32
        %add3A_291 = arith.constant 1 : i32
        %add3A_292 = arith.addi %mul3A_290, %add3A_291 : i32
        %swap3A_293 = arith.index_cast %add3A_292 : i32 to index
        %swap3A_294 = arith.constant 48 : index
        %swap3A_295 = tpu.vector_load %arg7[%swap3A_293, %swap3A_294] {strides = array<i32>} : memref<200x128xf32, #tpu.memory_space<vmem>>, vector<1x16xf32>,
        %swap3A_296 = vector.shape_cast %swap3A_295 : vector<1x16xf32> to vector<16xf32>
        %swap3A_297 = vector.shape_cast %get3A_288 : vector<16xf32> to vector<1x16xf32>
        tpu.vector_store %arg7[%swap3A_293, %swap3A_294], %swap3A_297 {strides = array<i32>} : memref<200x128xf32, #tpu.memory_space<vmem>>, vector<1x16xf32>,
      }
      %scan3A_75 = arith.constant 100 : i32
      %add3A_76 = arith.addi %mul3A_2, %add3A_58 : i32
      %mul3A_77 = arith.constant 2 : i32
      %mul3A_78 = arith.muli %mul3A_77, %add3A_76 : i32
      %add3A_79 = arith.constant 0 : i32
      %add3A_80 = arith.addi %mul3A_78, %add3A_79 : i32
      %dma_start3A_81 = arith.constant 0 : i32
      %dma_start3A_82 = arith.constant 0 : i32
      %dma_start3A_83 = tpu.memref_slice %arg4[%add3A_80, %dma_start3A_81, %dma_start3A_82] : memref<4096x200x128xf32, #tpu.memory_space<hbm>> -> memref<1x200x128xf32, #tpu.memory_space<hbm>>
      %dma_start3A_84 = tpu.memref_squeeze %dma_start3A_83 : memref<1x200x128xf32, #tpu.memory_space<hbm>> -> memref<200x128xf32, #tpu.memory_space<hbm>>
      %dma_start3A_85 = arith.constant 0 : i32
      %dma_start3A_86 = arith.constant 0 : i32
      %dma_start3A_87 = tpu.memref_slice %arg4[%add3A_80, %dma_start3A_85, %dma_start3A_86] : memref<4096x200x128xf32, #tpu.memory_space<hbm>> -> memref<1x200x128xf32, #tpu.memory_space<hbm>>
      %dma_start3A_88 = tpu.memref_squeeze %dma_start3A_87 : memref<1x200x128xf32, #tpu.memory_space<hbm>> -> memref<200x128xf32, #tpu.memory_space<hbm>>
      tpu.enqueue_dma source(%arg7 : memref<200x128xf32, #tpu.memory_space<vmem>>) target(%dma_start3A_88 : memref<200x128xf32, #tpu.memory_space<hbm>>) target_semaphore(%arg11 : memref<!tpu.dma_semaphore, #tpu.memory_space<semaphore_mem>>)
      %gt3A_89 = arith.constant 0 : i32
      %gt3A_90 = arith.cmpi sgt, %add3A_58, %gt3A_89 : i32
      %convert_element_type3A_91 = arith.extui %gt3A_90 : i1 to i32
      %cond3A_92 = arith.constant 0 : i32
      %cond3A_93 = arith.cmpi ne, %convert_element_type3A_91, %cond3A_92 : i32
      scf.if %cond3A_93 {
        %sub3A = arith.constant 1 : i32
        %sub3A_187 = arith.subi %add3A_58, %sub3A : i32
        %add3A_188 = arith.addi %mul3A_2, %sub3A_187 : i32
        %mul3A_189 = arith.constant 2 : i32
        %mul3A_190 = arith.muli %mul3A_189, %add3A_188 : i32
        %add3A_191 = arith.constant 1 : i32
        %add3A_192 = arith.addi %mul3A_190, %add3A_191 : i32
        %dma_wait3A_193 = arith.constant 0 : i32
        %dma_wait3A_194 = arith.constant 0 : i32
        %dma_wait3A_195 = tpu.memref_slice %arg4[%add3A_192, %dma_wait3A_193, %dma_wait3A_194] : memref<4096x200x128xf32, #tpu.memory_space<hbm>> -> memref<1x200x128xf32, #tpu.memory_space<hbm>>
        %dma_wait3A_196 = tpu.memref_squeeze %dma_wait3A_195 : memref<1x200x128xf32, #tpu.memory_space<hbm>> -> memref<200x128xf32, #tpu.memory_space<hbm>>
        %dma_wait3A_197 = arith.constant 0 : i32
        %dma_wait3A_198 = arith.constant 0 : i32
        %dma_wait3A_199 = tpu.memref_slice %arg4[%add3A_192, %dma_wait3A_197, %dma_wait3A_198] : memref<4096x200x128xf32, #tpu.memory_space<hbm>> -> memref<1x200x128xf32, #tpu.memory_space<hbm>>
        %dma_wait3A_200 = tpu.memref_squeeze %dma_wait3A_199 : memref<1x200x128xf32, #tpu.memory_space<hbm>> -> memref<200x128xf32, #tpu.memory_space<hbm>>
        tpu.wait_dma2 semaphore(%arg12 : memref<!tpu.dma_semaphore, #tpu.memory_space<semaphore_mem>>) src(%arg8 : memref<200x128xf32, #tpu.memory_space<vmem>>) dst(%dma_wait3A_200 : memref<200x128xf32, #tpu.memory_space<hbm>>)
      } else {
      }
      %scan3A_94 = arith.constant 0 : i32
      %scan3A_95 = arith.constant 0 : i32
      %scan3A_96 = arith.constant 100 : i32
      %scan3A_97 = arith.addi %scan3A_95, %scan3A_96 : i32
      %scan3A_98 = arith.constant 1 : i32
      scf.for %scan3A_187 = %scan3A_95 to %scan3A_97 step %scan3A_98  : i32 {
        %add3A_188 = arith.constant 100 : i32
        %add3A_189 = arith.addi %add3A_188, %scan3A_187 : i32
        %get3A = arith.index_cast %add3A_189 : i32 to index
        %get3A_190 = arith.constant 0 : index
        %get3A_191 = tpu.vector_load %arg5[%get3A, %get3A_190] {strides = array<i32>} : memref<200x128xf32, #tpu.memory_space<vmem>>, vector<1x16xf32>,
        %get3A_192 = vector.shape_cast %get3A_191 : vector<1x16xf32> to vector<16xf32>
        %mul3A_193 = arith.constant 2 : i32
        %mul3A_194 = arith.muli %mul3A_193, %scan3A_187 : i32
        %swap3A = arith.index_cast %mul3A_194 : i32 to index
        %swap3A_195 = arith.constant 0 : index
        %swap3A_196 = tpu.vector_load %arg8[%swap3A, %swap3A_195] {strides = array<i32>} : memref<200x128xf32, #tpu.memory_space<vmem>>, vector<1x16xf32>,
        %swap3A_197 = vector.shape_cast %swap3A_196 : vector<1x16xf32> to vector<16xf32>
        %swap3A_198 = vector.shape_cast %get3A_192 : vector<16xf32> to vector<1x16xf32>
        tpu.vector_store %arg8[%swap3A, %swap3A_195], %swap3A_198 {strides = array<i32>} : memref<200x128xf32, #tpu.memory_space<vmem>>, vector<1x16xf32>,
        %add3A_199 = arith.constant 100 : i32
        %add3A_200 = arith.addi %add3A_199, %scan3A_187 : i32
        %get3A_201 = arith.index_cast %add3A_200 : i32 to index
        %get3A_202 = arith.constant 16 : index
        %get3A_203 = tpu.vector_load %arg5[%get3A_201, %get3A_202] {strides = array<i32>} : memref<200x128xf32, #tpu.memory_space<vmem>>, vector<1x16xf32>,
        %get3A_204 = vector.shape_cast %get3A_203 : vector<1x16xf32> to vector<16xf32>
        %mul3A_205 = arith.constant 2 : i32
        %mul3A_206 = arith.muli %mul3A_205, %scan3A_187 : i32
        %swap3A_207 = arith.index_cast %mul3A_206 : i32 to index
        %swap3A_208 = arith.constant 16 : index
        %swap3A_209 = tpu.vector_load %arg8[%swap3A_207, %swap3A_208] {strides = array<i32>} : memref<200x128xf32, #tpu.memory_space<vmem>>, vector<1x16xf32>,
        %swap3A_210 = vector.shape_cast %swap3A_209 : vector<1x16xf32> to vector<16xf32>
        %swap3A_211 = vector.shape_cast %get3A_204 : vector<16xf32> to vector<1x16xf32>
        tpu.vector_store %arg8[%swap3A_207, %swap3A_208], %swap3A_211 {strides = array<i32>} : memref<200x128xf32, #tpu.memory_space<vmem>>, vector<1x16xf32>,
        %add3A_212 = arith.constant 100 : i32
        %add3A_213 = arith.addi %add3A_212, %scan3A_187 : i32
        %get3A_214 = arith.index_cast %add3A_213 : i32 to index
        %get3A_215 = arith.constant 32 : index
        %get3A_216 = tpu.vector_load %arg5[%get3A_214, %get3A_215] {strides = array<i32>} : memref<200x128xf32, #tpu.memory_space<vmem>>, vector<1x16xf32>,
        %get3A_217 = vector.shape_cast %get3A_216 : vector<1x16xf32> to vector<16xf32>
        %mul3A_218 = arith.constant 2 : i32
        %mul3A_219 = arith.muli %mul3A_218, %scan3A_187 : i32
        %swap3A_220 = arith.index_cast %mul3A_219 : i32 to index
        %swap3A_221 = arith.constant 32 : index
        %swap3A_222 = tpu.vector_load %arg8[%swap3A_220, %swap3A_221] {strides = array<i32>} : memref<200x128xf32, #tpu.memory_space<vmem>>, vector<1x16xf32>,
        %swap3A_223 = vector.shape_cast %swap3A_222 : vector<1x16xf32> to vector<16xf32>
        %swap3A_224 = vector.shape_cast %get3A_217 : vector<16xf32> to vector<1x16xf32>
        tpu.vector_store %arg8[%swap3A_220, %swap3A_221], %swap3A_224 {strides = array<i32>} : memref<200x128xf32, #tpu.memory_space<vmem>>, vector<1x16xf32>,
        %add3A_225 = arith.constant 100 : i32
        %add3A_226 = arith.addi %add3A_225, %scan3A_187 : i32
        %get3A_227 = arith.index_cast %add3A_226 : i32 to index
        %get3A_228 = arith.constant 48 : index
        %get3A_229 = tpu.vector_load %arg5[%get3A_227, %get3A_228] {strides = array<i32>} : memref<200x128xf32, #tpu.memory_space<vmem>>, vector<1x16xf32>,
        %get3A_230 = vector.shape_cast %get3A_229 : vector<1x16xf32> to vector<16xf32>
        %mul3A_231 = arith.constant 2 : i32
        %mul3A_232 = arith.muli %mul3A_231, %scan3A_187 : i32
        %swap3A_233 = arith.index_cast %mul3A_232 : i32 to index
        %swap3A_234 = arith.constant 48 : index
        %swap3A_235 = tpu.vector_load %arg8[%swap3A_233, %swap3A_234] {strides = array<i32>} : memref<200x128xf32, #tpu.memory_space<vmem>>, vector<1x16xf32>,
        %swap3A_236 = vector.shape_cast %swap3A_235 : vector<1x16xf32> to vector<16xf32>
        %swap3A_237 = vector.shape_cast %get3A_230 : vector<16xf32> to vector<1x16xf32>
        tpu.vector_store %arg8[%swap3A_233, %swap3A_234], %swap3A_237 {strides = array<i32>} : memref<200x128xf32, #tpu.memory_space<vmem>>, vector<1x16xf32>,
        %add3A_238 = arith.constant 100 : i32
        %add3A_239 = arith.addi %add3A_238, %scan3A_187 : i32
        %get3A_240 = arith.index_cast %add3A_239 : i32 to index
        %get3A_241 = arith.constant 64 : index
        %get3A_242 = tpu.vector_load %arg5[%get3A_240, %get3A_241] {strides = array<i32>} : memref<200x128xf32, #tpu.memory_space<vmem>>, vector<1x16xf32>,
        %get3A_243 = vector.shape_cast %get3A_242 : vector<1x16xf32> to vector<16xf32>
        %mul3A_244 = arith.constant 2 : i32
        %mul3A_245 = arith.muli %mul3A_244, %scan3A_187 : i32
        %add3A_246 = arith.constant 1 : i32
        %add3A_247 = arith.addi %mul3A_245, %add3A_246 : i32
        %swap3A_248 = arith.index_cast %add3A_247 : i32 to index
        %swap3A_249 = arith.constant 0 : index
        %swap3A_250 = tpu.vector_load %arg8[%swap3A_248, %swap3A_249] {strides = array<i32>} : memref<200x128xf32, #tpu.memory_space<vmem>>, vector<1x16xf32>,
        %swap3A_251 = vector.shape_cast %swap3A_250 : vector<1x16xf32> to vector<16xf32>
        %swap3A_252 = vector.shape_cast %get3A_243 : vector<16xf32> to vector<1x16xf32>
        tpu.vector_store %arg8[%swap3A_248, %swap3A_249], %swap3A_252 {strides = array<i32>} : memref<200x128xf32, #tpu.memory_space<vmem>>, vector<1x16xf32>,
        %add3A_253 = arith.constant 100 : i32
        %add3A_254 = arith.addi %add3A_253, %scan3A_187 : i32
        %get3A_255 = arith.index_cast %add3A_254 : i32 to index
        %get3A_256 = arith.constant 80 : index
        %get3A_257 = tpu.vector_load %arg5[%get3A_255, %get3A_256] {strides = array<i32>} : memref<200x128xf32, #tpu.memory_space<vmem>>, vector<1x16xf32>,
        %get3A_258 = vector.shape_cast %get3A_257 : vector<1x16xf32> to vector<16xf32>
        %mul3A_259 = arith.constant 2 : i32
        %mul3A_260 = arith.muli %mul3A_259, %scan3A_187 : i32
        %add3A_261 = arith.constant 1 : i32
        %add3A_262 = arith.addi %mul3A_260, %add3A_261 : i32
        %swap3A_263 = arith.index_cast %add3A_262 : i32 to index
        %swap3A_264 = arith.constant 16 : index
        %swap3A_265 = tpu.vector_load %arg8[%swap3A_263, %swap3A_264] {strides = array<i32>} : memref<200x128xf32, #tpu.memory_space<vmem>>, vector<1x16xf32>,
        %swap3A_266 = vector.shape_cast %swap3A_265 : vector<1x16xf32> to vector<16xf32>
        %swap3A_267 = vector.shape_cast %get3A_258 : vector<16xf32> to vector<1x16xf32>
        tpu.vector_store %arg8[%swap3A_263, %swap3A_264], %swap3A_267 {strides = array<i32>} : memref<200x128xf32, #tpu.memory_space<vmem>>, vector<1x16xf32>,
        %add3A_268 = arith.constant 100 : i32
        %add3A_269 = arith.addi %add3A_268, %scan3A_187 : i32
        %get3A_270 = arith.index_cast %add3A_269 : i32 to index
        %get3A_271 = arith.constant 96 : index
        %get3A_272 = tpu.vector_load %arg5[%get3A_270, %get3A_271] {strides = array<i32>} : memref<200x128xf32, #tpu.memory_space<vmem>>, vector<1x16xf32>,
        %get3A_273 = vector.shape_cast %get3A_272 : vector<1x16xf32> to vector<16xf32>
        %mul3A_274 = arith.constant 2 : i32
        %mul3A_275 = arith.muli %mul3A_274, %scan3A_187 : i32
        %add3A_276 = arith.constant 1 : i32
        %add3A_277 = arith.addi %mul3A_275, %add3A_276 : i32
        %swap3A_278 = arith.index_cast %add3A_277 : i32 to index
        %swap3A_279 = arith.constant 32 : index
        %swap3A_280 = tpu.vector_load %arg8[%swap3A_278, %swap3A_279] {strides = array<i32>} : memref<200x128xf32, #tpu.memory_space<vmem>>, vector<1x16xf32>,
        %swap3A_281 = vector.shape_cast %swap3A_280 : vector<1x16xf32> to vector<16xf32>
        %swap3A_282 = vector.shape_cast %get3A_273 : vector<16xf32> to vector<1x16xf32>
        tpu.vector_store %arg8[%swap3A_278, %swap3A_279], %swap3A_282 {strides = array<i32>} : memref<200x128xf32, #tpu.memory_space<vmem>>, vector<1x16xf32>,
        %add3A_283 = arith.constant 100 : i32
        %add3A_284 = arith.addi %add3A_283, %scan3A_187 : i32
        %get3A_285 = arith.index_cast %add3A_284 : i32 to index
        %get3A_286 = arith.constant 112 : index
        %get3A_287 = tpu.vector_load %arg5[%get3A_285, %get3A_286] {strides = array<i32>} : memref<200x128xf32, #tpu.memory_space<vmem>>, vector<1x16xf32>,
        %get3A_288 = vector.shape_cast %get3A_287 : vector<1x16xf32> to vector<16xf32>
        %mul3A_289 = arith.constant 2 : i32
        %mul3A_290 = arith.muli %mul3A_289, %scan3A_187 : i32
        %add3A_291 = arith.constant 1 : i32
        %add3A_292 = arith.addi %mul3A_290, %add3A_291 : i32
        %swap3A_293 = arith.index_cast %add3A_292 : i32 to index
        %swap3A_294 = arith.constant 48 : index
        %swap3A_295 = tpu.vector_load %arg8[%swap3A_293, %swap3A_294] {strides = array<i32>} : memref<200x128xf32, #tpu.memory_space<vmem>>, vector<1x16xf32>,
        %swap3A_296 = vector.shape_cast %swap3A_295 : vector<1x16xf32> to vector<16xf32>
        %swap3A_297 = vector.shape_cast %get3A_288 : vector<16xf32> to vector<1x16xf32>
        tpu.vector_store %arg8[%swap3A_293, %swap3A_294], %swap3A_297 {strides = array<i32>} : memref<200x128xf32, #tpu.memory_space<vmem>>, vector<1x16xf32>,
      }
      %scan3A_99 = arith.constant 100 : i32
      %add3A_100 = arith.addi %mul3A_2, %add3A_58 : i32
      %mul3A_101 = arith.constant 2 : i32
      %mul3A_102 = arith.muli %mul3A_101, %add3A_100 : i32
      %add3A_103 = arith.constant 1 : i32
      %add3A_104 = arith.addi %mul3A_102, %add3A_103 : i32
      %dma_start3A_105 = arith.constant 0 : i32
      %dma_start3A_106 = arith.constant 0 : i32
      %dma_start3A_107 = tpu.memref_slice %arg4[%add3A_104, %dma_start3A_105, %dma_start3A_106] : memref<4096x200x128xf32, #tpu.memory_space<hbm>> -> memref<1x200x128xf32, #tpu.memory_space<hbm>>
      %dma_start3A_108 = tpu.memref_squeeze %dma_start3A_107 : memref<1x200x128xf32, #tpu.memory_space<hbm>> -> memref<200x128xf32, #tpu.memory_space<hbm>>
      %dma_start3A_109 = arith.constant 0 : i32
      %dma_start3A_110 = arith.constant 0 : i32
      %dma_start3A_111 = tpu.memref_slice %arg4[%add3A_104, %dma_start3A_109, %dma_start3A_110] : memref<4096x200x128xf32, #tpu.memory_space<hbm>> -> memref<1x200x128xf32, #tpu.memory_space<hbm>>
      %dma_start3A_112 = tpu.memref_squeeze %dma_start3A_111 : memref<1x200x128xf32, #tpu.memory_space<hbm>> -> memref<200x128xf32, #tpu.memory_space<hbm>>
      tpu.enqueue_dma source(%arg8 : memref<200x128xf32, #tpu.memory_space<vmem>>) target(%dma_start3A_112 : memref<200x128xf32, #tpu.memory_space<hbm>>) target_semaphore(%arg12 : memref<!tpu.dma_semaphore, #tpu.memory_space<semaphore_mem>>)
      %add3A_113 = arith.constant 2 : i32
      %add3A_114 = arith.addi %add3A_58, %add3A_113 : i32
      %lt3A = arith.constant 64 : i32
      %lt3A_115 = arith.cmpi slt, %add3A_114, %lt3A : i32
      %convert_element_type3A_116 = arith.extui %lt3A_115 : i1 to i32
      %cond3A_117 = arith.constant 0 : i32
      %cond3A_118 = arith.cmpi ne, %convert_element_type3A_116, %cond3A_117 : i32
      scf.if %cond3A_118 {
        %add3A_187 = arith.constant 2 : i32
        %add3A_188 = arith.addi %add3A_58, %add3A_187 : i32
        %add3A_189 = arith.addi %mul3A_2, %add3A_188 : i32
        %dma_start3A_190 = arith.constant 0 : i32
        %dma_start3A_191 = arith.constant 0 : i32
        %dma_start3A_192 = tpu.memref_slice %arg2[%add3A_189, %dma_start3A_190, %dma_start3A_191] : memref<2048x200x128xf32, #tpu.memory_space<hbm>> -> memref<1x200x128xf32, #tpu.memory_space<hbm>>
        %dma_start3A_193 = tpu.memref_squeeze %dma_start3A_192 : memref<1x200x128xf32, #tpu.memory_space<hbm>> -> memref<200x128xf32, #tpu.memory_space<hbm>>
        %dma_start3A_194 = arith.constant 0 : i32
        %dma_start3A_195 = arith.constant 0 : i32
        %dma_start3A_196 = tpu.memref_slice %arg2[%add3A_189, %dma_start3A_194, %dma_start3A_195] : memref<2048x200x128xf32, #tpu.memory_space<hbm>> -> memref<1x200x128xf32, #tpu.memory_space<hbm>>
        %dma_start3A_197 = tpu.memref_squeeze %dma_start3A_196 : memref<1x200x128xf32, #tpu.memory_space<hbm>> -> memref<200x128xf32, #tpu.memory_space<hbm>>
        tpu.enqueue_dma source(%dma_start3A_197 : memref<200x128xf32, #tpu.memory_space<hbm>>) target(%arg5 : memref<200x128xf32, #tpu.memory_space<vmem>>) target_semaphore(%arg9 : memref<!tpu.dma_semaphore, #tpu.memory_space<semaphore_mem>>)
      } else {
      }
      %mul3A_119 = arith.constant 2 : i32
      %mul3A_120 = arith.muli %mul3A_119, %scan3A_54 : i32
      %add3A_121 = arith.constant 1 : i32
      %add3A_122 = arith.addi %mul3A_120, %add3A_121 : i32
      %add3A_123 = arith.addi %mul3A_2, %add3A_122 : i32
      %dma_wait3A_124 = arith.constant 0 : i32
      %dma_wait3A_125 = arith.constant 0 : i32
      %dma_wait3A_126 = tpu.memref_slice %arg2[%add3A_123, %dma_wait3A_124, %dma_wait3A_125] : memref<2048x200x128xf32, #tpu.memory_space<hbm>> -> memref<1x200x128xf32, #tpu.memory_space<hbm>>
      %dma_wait3A_127 = tpu.memref_squeeze %dma_wait3A_126 : memref<1x200x128xf32, #tpu.memory_space<hbm>> -> memref<200x128xf32, #tpu.memory_space<hbm>>
      %dma_wait3A_128 = arith.constant 0 : i32
      %dma_wait3A_129 = arith.constant 0 : i32
      %dma_wait3A_130 = tpu.memref_slice %arg2[%add3A_123, %dma_wait3A_128, %dma_wait3A_129] : memref<2048x200x128xf32, #tpu.memory_space<hbm>> -> memref<1x200x128xf32, #tpu.memory_space<hbm>>
      %dma_wait3A_131 = tpu.memref_squeeze %dma_wait3A_130 : memref<1x200x128xf32, #tpu.memory_space<hbm>> -> memref<200x128xf32, #tpu.memory_space<hbm>>
      tpu.wait_dma2 semaphore(%arg10 : memref<!tpu.dma_semaphore, #tpu.memory_space<semaphore_mem>>) src(%dma_wait3A_131 : memref<200x128xf32, #tpu.memory_space<hbm>>) dst(%arg6 : memref<200x128xf32, #tpu.memory_space<vmem>>)
      %gt3A_132 = arith.constant 0 : i32
      %gt3A_133 = arith.cmpi sgt, %add3A_122, %gt3A_132 : i32
      %convert_element_type3A_134 = arith.extui %gt3A_133 : i1 to i32
      %cond3A_135 = arith.constant 0 : i32
      %cond3A_136 = arith.cmpi ne, %convert_element_type3A_134, %cond3A_135 : i32
      scf.if %cond3A_136 {
        %sub3A = arith.constant 1 : i32
        %sub3A_187 = arith.subi %add3A_122, %sub3A : i32
        %add3A_188 = arith.addi %mul3A_2, %sub3A_187 : i32
        %mul3A_189 = arith.constant 2 : i32
        %mul3A_190 = arith.muli %mul3A_189, %add3A_188 : i32
        %add3A_191 = arith.constant 0 : i32
        %add3A_192 = arith.addi %mul3A_190, %add3A_191 : i32
        %dma_wait3A_193 = arith.constant 0 : i32
        %dma_wait3A_194 = arith.constant 0 : i32
        %dma_wait3A_195 = tpu.memref_slice %arg4[%add3A_192, %dma_wait3A_193, %dma_wait3A_194] : memref<4096x200x128xf32, #tpu.memory_space<hbm>> -> memref<1x200x128xf32, #tpu.memory_space<hbm>>
        %dma_wait3A_196 = tpu.memref_squeeze %dma_wait3A_195 : memref<1x200x128xf32, #tpu.memory_space<hbm>> -> memref<200x128xf32, #tpu.memory_space<hbm>>
        %dma_wait3A_197 = arith.constant 0 : i32
        %dma_wait3A_198 = arith.constant 0 : i32
        %dma_wait3A_199 = tpu.memref_slice %arg4[%add3A_192, %dma_wait3A_197, %dma_wait3A_198] : memref<4096x200x128xf32, #tpu.memory_space<hbm>> -> memref<1x200x128xf32, #tpu.memory_space<hbm>>
        %dma_wait3A_200 = tpu.memref_squeeze %dma_wait3A_199 : memref<1x200x128xf32, #tpu.memory_space<hbm>> -> memref<200x128xf32, #tpu.memory_space<hbm>>
        tpu.wait_dma2 semaphore(%arg11 : memref<!tpu.dma_semaphore, #tpu.memory_space<semaphore_mem>>) src(%arg7 : memref<200x128xf32, #tpu.memory_space<vmem>>) dst(%dma_wait3A_200 : memref<200x128xf32, #tpu.memory_space<hbm>>)
      } else {
      }
      %scan3A_137 = arith.constant 0 : i32
      %scan3A_138 = arith.constant 0 : i32
      %scan3A_139 = arith.constant 100 : i32
      %scan3A_140 = arith.addi %scan3A_138, %scan3A_139 : i32
      %scan3A_141 = arith.constant 1 : i32
      scf.for %scan3A_187 = %scan3A_138 to %scan3A_140 step %scan3A_141  : i32 {
        %add3A_188 = arith.constant 0 : i32
        %add3A_189 = arith.addi %add3A_188, %scan3A_187 : i32
        %get3A = arith.index_cast %add3A_189 : i32 to index
        %get3A_190 = arith.constant 0 : index
        %get3A_191 = tpu.vector_load %arg6[%get3A, %get3A_190] {strides = array<i32>} : memref<200x128xf32, #tpu.memory_space<vmem>>, vector<1x16xf32>,
        %get3A_192 = vector.shape_cast %get3A_191 : vector<1x16xf32> to vector<16xf32>
        %mul3A_193 = arith.constant 2 : i32
        %mul3A_194 = arith.muli %mul3A_193, %scan3A_187 : i32
        %swap3A = arith.index_cast %mul3A_194 : i32 to index
        %swap3A_195 = arith.constant 0 : index
        %swap3A_196 = tpu.vector_load %arg7[%swap3A, %swap3A_195] {strides = array<i32>} : memref<200x128xf32, #tpu.memory_space<vmem>>, vector<1x16xf32>,
        %swap3A_197 = vector.shape_cast %swap3A_196 : vector<1x16xf32> to vector<16xf32>
        %swap3A_198 = vector.shape_cast %get3A_192 : vector<16xf32> to vector<1x16xf32>
        tpu.vector_store %arg7[%swap3A, %swap3A_195], %swap3A_198 {strides = array<i32>} : memref<200x128xf32, #tpu.memory_space<vmem>>, vector<1x16xf32>,
        %add3A_199 = arith.constant 0 : i32
        %add3A_200 = arith.addi %add3A_199, %scan3A_187 : i32
        %get3A_201 = arith.index_cast %add3A_200 : i32 to index
        %get3A_202 = arith.constant 16 : index
        %get3A_203 = tpu.vector_load %arg6[%get3A_201, %get3A_202] {strides = array<i32>} : memref<200x128xf32, #tpu.memory_space<vmem>>, vector<1x16xf32>,
        %get3A_204 = vector.shape_cast %get3A_203 : vector<1x16xf32> to vector<16xf32>
        %mul3A_205 = arith.constant 2 : i32
        %mul3A_206 = arith.muli %mul3A_205, %scan3A_187 : i32
        %swap3A_207 = arith.index_cast %mul3A_206 : i32 to index
        %swap3A_208 = arith.constant 16 : index
        %swap3A_209 = tpu.vector_load %arg7[%swap3A_207, %swap3A_208] {strides = array<i32>} : memref<200x128xf32, #tpu.memory_space<vmem>>, vector<1x16xf32>,
        %swap3A_210 = vector.shape_cast %swap3A_209 : vector<1x16xf32> to vector<16xf32>
        %swap3A_211 = vector.shape_cast %get3A_204 : vector<16xf32> to vector<1x16xf32>
        tpu.vector_store %arg7[%swap3A_207, %swap3A_208], %swap3A_211 {strides = array<i32>} : memref<200x128xf32, #tpu.memory_space<vmem>>, vector<1x16xf32>,
        %add3A_212 = arith.constant 0 : i32
        %add3A_213 = arith.addi %add3A_212, %scan3A_187 : i32
        %get3A_214 = arith.index_cast %add3A_213 : i32 to index
        %get3A_215 = arith.constant 32 : index
        %get3A_216 = tpu.vector_load %arg6[%get3A_214, %get3A_215] {strides = array<i32>} : memref<200x128xf32, #tpu.memory_space<vmem>>, vector<1x16xf32>,
        %get3A_217 = vector.shape_cast %get3A_216 : vector<1x16xf32> to vector<16xf32>
        %mul3A_218 = arith.constant 2 : i32
        %mul3A_219 = arith.muli %mul3A_218, %scan3A_187 : i32
        %swap3A_220 = arith.index_cast %mul3A_219 : i32 to index
        %swap3A_221 = arith.constant 32 : index
        %swap3A_222 = tpu.vector_load %arg7[%swap3A_220, %swap3A_221] {strides = array<i32>} : memref<200x128xf32, #tpu.memory_space<vmem>>, vector<1x16xf32>,
        %swap3A_223 = vector.shape_cast %swap3A_222 : vector<1x16xf32> to vector<16xf32>
        %swap3A_224 = vector.shape_cast %get3A_217 : vector<16xf32> to vector<1x16xf32>
        tpu.vector_store %arg7[%swap3A_220, %swap3A_221], %swap3A_224 {strides = array<i32>} : memref<200x128xf32, #tpu.memory_space<vmem>>, vector<1x16xf32>,
        %add3A_225 = arith.constant 0 : i32
        %add3A_226 = arith.addi %add3A_225, %scan3A_187 : i32
        %get3A_227 = arith.index_cast %add3A_226 : i32 to index
        %get3A_228 = arith.constant 48 : index
        %get3A_229 = tpu.vector_load %arg6[%get3A_227, %get3A_228] {strides = array<i32>} : memref<200x128xf32, #tpu.memory_space<vmem>>, vector<1x16xf32>,
        %get3A_230 = vector.shape_cast %get3A_229 : vector<1x16xf32> to vector<16xf32>
        %mul3A_231 = arith.constant 2 : i32
        %mul3A_232 = arith.muli %mul3A_231, %scan3A_187 : i32
        %swap3A_233 = arith.index_cast %mul3A_232 : i32 to index
        %swap3A_234 = arith.constant 48 : index
        %swap3A_235 = tpu.vector_load %arg7[%swap3A_233, %swap3A_234] {strides = array<i32>} : memref<200x128xf32, #tpu.memory_space<vmem>>, vector<1x16xf32>,
        %swap3A_236 = vector.shape_cast %swap3A_235 : vector<1x16xf32> to vector<16xf32>
        %swap3A_237 = vector.shape_cast %get3A_230 : vector<16xf32> to vector<1x16xf32>
        tpu.vector_store %arg7[%swap3A_233, %swap3A_234], %swap3A_237 {strides = array<i32>} : memref<200x128xf32, #tpu.memory_space<vmem>>, vector<1x16xf32>,
        %add3A_238 = arith.constant 0 : i32
        %add3A_239 = arith.addi %add3A_238, %scan3A_187 : i32
        %get3A_240 = arith.index_cast %add3A_239 : i32 to index
        %get3A_241 = arith.constant 64 : index
        %get3A_242 = tpu.vector_load %arg6[%get3A_240, %get3A_241] {strides = array<i32>} : memref<200x128xf32, #tpu.memory_space<vmem>>, vector<1x16xf32>,
        %get3A_243 = vector.shape_cast %get3A_242 : vector<1x16xf32> to vector<16xf32>
        %mul3A_244 = arith.constant 2 : i32
        %mul3A_245 = arith.muli %mul3A_244, %scan3A_187 : i32
        %add3A_246 = arith.constant 1 : i32
        %add3A_247 = arith.addi %mul3A_245, %add3A_246 : i32
        %swap3A_248 = arith.index_cast %add3A_247 : i32 to index
        %swap3A_249 = arith.constant 0 : index
        %swap3A_250 = tpu.vector_load %arg7[%swap3A_248, %swap3A_249] {strides = array<i32>} : memref<200x128xf32, #tpu.memory_space<vmem>>, vector<1x16xf32>,
        %swap3A_251 = vector.shape_cast %swap3A_250 : vector<1x16xf32> to vector<16xf32>
        %swap3A_252 = vector.shape_cast %get3A_243 : vector<16xf32> to vector<1x16xf32>
        tpu.vector_store %arg7[%swap3A_248, %swap3A_249], %swap3A_252 {strides = array<i32>} : memref<200x128xf32, #tpu.memory_space<vmem>>, vector<1x16xf32>,
        %add3A_253 = arith.constant 0 : i32
        %add3A_254 = arith.addi %add3A_253, %scan3A_187 : i32
        %get3A_255 = arith.index_cast %add3A_254 : i32 to index
        %get3A_256 = arith.constant 80 : index
        %get3A_257 = tpu.vector_load %arg6[%get3A_255, %get3A_256] {strides = array<i32>} : memref<200x128xf32, #tpu.memory_space<vmem>>, vector<1x16xf32>,
        %get3A_258 = vector.shape_cast %get3A_257 : vector<1x16xf32> to vector<16xf32>
        %mul3A_259 = arith.constant 2 : i32
        %mul3A_260 = arith.muli %mul3A_259, %scan3A_187 : i32
        %add3A_261 = arith.constant 1 : i32
        %add3A_262 = arith.addi %mul3A_260, %add3A_261 : i32
        %swap3A_263 = arith.index_cast %add3A_262 : i32 to index
        %swap3A_264 = arith.constant 16 : index
        %swap3A_265 = tpu.vector_load %arg7[%swap3A_263, %swap3A_264] {strides = array<i32>} : memref<200x128xf32, #tpu.memory_space<vmem>>, vector<1x16xf32>,
        %swap3A_266 = vector.shape_cast %swap3A_265 : vector<1x16xf32> to vector<16xf32>
        %swap3A_267 = vector.shape_cast %get3A_258 : vector<16xf32> to vector<1x16xf32>
        tpu.vector_store %arg7[%swap3A_263, %swap3A_264], %swap3A_267 {strides = array<i32>} : memref<200x128xf32, #tpu.memory_space<vmem>>, vector<1x16xf32>,
        %add3A_268 = arith.constant 0 : i32
        %add3A_269 = arith.addi %add3A_268, %scan3A_187 : i32
        %get3A_270 = arith.index_cast %add3A_269 : i32 to index
        %get3A_271 = arith.constant 96 : index
        %get3A_272 = tpu.vector_load %arg6[%get3A_270, %get3A_271] {strides = array<i32>} : memref<200x128xf32, #tpu.memory_space<vmem>>, vector<1x16xf32>,
        %get3A_273 = vector.shape_cast %get3A_272 : vector<1x16xf32> to vector<16xf32>
        %mul3A_274 = arith.constant 2 : i32
        %mul3A_275 = arith.muli %mul3A_274, %scan3A_187 : i32
        %add3A_276 = arith.constant 1 : i32
        %add3A_277 = arith.addi %mul3A_275, %add3A_276 : i32
        %swap3A_278 = arith.index_cast %add3A_277 : i32 to index
        %swap3A_279 = arith.constant 32 : index
        %swap3A_280 = tpu.vector_load %arg7[%swap3A_278, %swap3A_279] {strides = array<i32>} : memref<200x128xf32, #tpu.memory_space<vmem>>, vector<1x16xf32>,
        %swap3A_281 = vector.shape_cast %swap3A_280 : vector<1x16xf32> to vector<16xf32>
        %swap3A_282 = vector.shape_cast %get3A_273 : vector<16xf32> to vector<1x16xf32>
        tpu.vector_store %arg7[%swap3A_278, %swap3A_279], %swap3A_282 {strides = array<i32>} : memref<200x128xf32, #tpu.memory_space<vmem>>, vector<1x16xf32>,
        %add3A_283 = arith.constant 0 : i32
        %add3A_284 = arith.addi %add3A_283, %scan3A_187 : i32
        %get3A_285 = arith.index_cast %add3A_284 : i32 to index
        %get3A_286 = arith.constant 112 : index
        %get3A_287 = tpu.vector_load %arg6[%get3A_285, %get3A_286] {strides = array<i32>} : memref<200x128xf32, #tpu.memory_space<vmem>>, vector<1x16xf32>,
        %get3A_288 = vector.shape_cast %get3A_287 : vector<1x16xf32> to vector<16xf32>
        %mul3A_289 = arith.constant 2 : i32
        %mul3A_290 = arith.muli %mul3A_289, %scan3A_187 : i32
        %add3A_291 = arith.constant 1 : i32
        %add3A_292 = arith.addi %mul3A_290, %add3A_291 : i32
        %swap3A_293 = arith.index_cast %add3A_292 : i32 to index
        %swap3A_294 = arith.constant 48 : index
        %swap3A_295 = tpu.vector_load %arg7[%swap3A_293, %swap3A_294] {strides = array<i32>} : memref<200x128xf32, #tpu.memory_space<vmem>>, vector<1x16xf32>,
        %swap3A_296 = vector.shape_cast %swap3A_295 : vector<1x16xf32> to vector<16xf32>
        %swap3A_297 = vector.shape_cast %get3A_288 : vector<16xf32> to vector<1x16xf32>
        tpu.vector_store %arg7[%swap3A_293, %swap3A_294], %swap3A_297 {strides = array<i32>} : memref<200x128xf32, #tpu.memory_space<vmem>>, vector<1x16xf32>,
      }
      %scan3A_142 = arith.constant 100 : i32
      %add3A_143 = arith.addi %mul3A_2, %add3A_122 : i32
      %mul3A_144 = arith.constant 2 : i32
      %mul3A_145 = arith.muli %mul3A_144, %add3A_143 : i32
      %add3A_146 = arith.constant 0 : i32
      %add3A_147 = arith.addi %mul3A_145, %add3A_146 : i32
      %dma_start3A_148 = arith.constant 0 : i32
      %dma_start3A_149 = arith.constant 0 : i32
      %dma_start3A_150 = tpu.memref_slice %arg4[%add3A_147, %dma_start3A_148, %dma_start3A_149] : memref<4096x200x128xf32, #tpu.memory_space<hbm>> -> memref<1x200x128xf32, #tpu.memory_space<hbm>>
      %dma_start3A_151 = tpu.memref_squeeze %dma_start3A_150 : memref<1x200x128xf32, #tpu.memory_space<hbm>> -> memref<200x128xf32, #tpu.memory_space<hbm>>
      %dma_start3A_152 = arith.constant 0 : i32
      %dma_start3A_153 = arith.constant 0 : i32
      %dma_start3A_154 = tpu.memref_slice %arg4[%add3A_147, %dma_start3A_152, %dma_start3A_153] : memref<4096x200x128xf32, #tpu.memory_space<hbm>> -> memref<1x200x128xf32, #tpu.memory_space<hbm>>
      %dma_start3A_155 = tpu.memref_squeeze %dma_start3A_154 : memref<1x200x128xf32, #tpu.memory_space<hbm>> -> memref<200x128xf32, #tpu.memory_space<hbm>>
      tpu.enqueue_dma source(%arg7 : memref<200x128xf32, #tpu.memory_space<vmem>>) target(%dma_start3A_155 : memref<200x128xf32, #tpu.memory_space<hbm>>) target_semaphore(%arg11 : memref<!tpu.dma_semaphore, #tpu.memory_space<semaphore_mem>>)
      %gt3A_156 = arith.constant 0 : i32
      %gt3A_157 = arith.cmpi sgt, %add3A_122, %gt3A_156 : i32
      %convert_element_type3A_158 = arith.extui %gt3A_157 : i1 to i32
      %cond3A_159 = arith.constant 0 : i32
      %cond3A_160 = arith.cmpi ne, %convert_element_type3A_158, %cond3A_159 : i32
      scf.if %cond3A_160 {
        %sub3A = arith.constant 1 : i32
        %sub3A_187 = arith.subi %add3A_122, %sub3A : i32
        %add3A_188 = arith.addi %mul3A_2, %sub3A_187 : i32
        %mul3A_189 = arith.constant 2 : i32
        %mul3A_190 = arith.muli %mul3A_189, %add3A_188 : i32
        %add3A_191 = arith.constant 1 : i32
        %add3A_192 = arith.addi %mul3A_190, %add3A_191 : i32
        %dma_wait3A_193 = arith.constant 0 : i32
        %dma_wait3A_194 = arith.constant 0 : i32
        %dma_wait3A_195 = tpu.memref_slice %arg4[%add3A_192, %dma_wait3A_193, %dma_wait3A_194] : memref<4096x200x128xf32, #tpu.memory_space<hbm>> -> memref<1x200x128xf32, #tpu.memory_space<hbm>>
        %dma_wait3A_196 = tpu.memref_squeeze %dma_wait3A_195 : memref<1x200x128xf32, #tpu.memory_space<hbm>> -> memref<200x128xf32, #tpu.memory_space<hbm>>
        %dma_wait3A_197 = arith.constant 0 : i32
        %dma_wait3A_198 = arith.constant 0 : i32
        %dma_wait3A_199 = tpu.memref_slice %arg4[%add3A_192, %dma_wait3A_197, %dma_wait3A_198] : memref<4096x200x128xf32, #tpu.memory_space<hbm>> -> memref<1x200x128xf32, #tpu.memory_space<hbm>>
        %dma_wait3A_200 = tpu.memref_squeeze %dma_wait3A_199 : memref<1x200x128xf32, #tpu.memory_space<hbm>> -> memref<200x128xf32, #tpu.memory_space<hbm>>
        tpu.wait_dma2 semaphore(%arg12 : memref<!tpu.dma_semaphore, #tpu.memory_space<semaphore_mem>>) src(%arg8 : memref<200x128xf32, #tpu.memory_space<vmem>>) dst(%dma_wait3A_200 : memref<200x128xf32, #tpu.memory_space<hbm>>)
      } else {
      }
      %scan3A_161 = arith.constant 0 : i32
      %scan3A_162 = arith.constant 0 : i32
      %scan3A_163 = arith.constant 100 : i32
      %scan3A_164 = arith.addi %scan3A_162, %scan3A_163 : i32
      %scan3A_165 = arith.constant 1 : i32
      scf.for %scan3A_187 = %scan3A_162 to %scan3A_164 step %scan3A_165  : i32 {
        %add3A_188 = arith.constant 100 : i32
        %add3A_189 = arith.addi %add3A_188, %scan3A_187 : i32
        %get3A = arith.index_cast %add3A_189 : i32 to index
        %get3A_190 = arith.constant 0 : index
        %get3A_191 = tpu.vector_load %arg6[%get3A, %get3A_190] {strides = array<i32>} : memref<200x128xf32, #tpu.memory_space<vmem>>, vector<1x16xf32>,
        %get3A_192 = vector.shape_cast %get3A_191 : vector<1x16xf32> to vector<16xf32>
        %mul3A_193 = arith.constant 2 : i32
        %mul3A_194 = arith.muli %mul3A_193, %scan3A_187 : i32
        %swap3A = arith.index_cast %mul3A_194 : i32 to index
        %swap3A_195 = arith.constant 0 : index
        %swap3A_196 = tpu.vector_load %arg8[%swap3A, %swap3A_195] {strides = array<i32>} : memref<200x128xf32, #tpu.memory_space<vmem>>, vector<1x16xf32>,
        %swap3A_197 = vector.shape_cast %swap3A_196 : vector<1x16xf32> to vector<16xf32>
        %swap3A_198 = vector.shape_cast %get3A_192 : vector<16xf32> to vector<1x16xf32>
        tpu.vector_store %arg8[%swap3A, %swap3A_195], %swap3A_198 {strides = array<i32>} : memref<200x128xf32, #tpu.memory_space<vmem>>, vector<1x16xf32>,
        %add3A_199 = arith.constant 100 : i32
        %add3A_200 = arith.addi %add3A_199, %scan3A_187 : i32
        %get3A_201 = arith.index_cast %add3A_200 : i32 to index
        %get3A_202 = arith.constant 16 : index
        %get3A_203 = tpu.vector_load %arg6[%get3A_201, %get3A_202] {strides = array<i32>} : memref<200x128xf32, #tpu.memory_space<vmem>>, vector<1x16xf32>,
        %get3A_204 = vector.shape_cast %get3A_203 : vector<1x16xf32> to vector<16xf32>
        %mul3A_205 = arith.constant 2 : i32
        %mul3A_206 = arith.muli %mul3A_205, %scan3A_187 : i32
        %swap3A_207 = arith.index_cast %mul3A_206 : i32 to index
        %swap3A_208 = arith.constant 16 : index
        %swap3A_209 = tpu.vector_load %arg8[%swap3A_207, %swap3A_208] {strides = array<i32>} : memref<200x128xf32, #tpu.memory_space<vmem>>, vector<1x16xf32>,
        %swap3A_210 = vector.shape_cast %swap3A_209 : vector<1x16xf32> to vector<16xf32>
        %swap3A_211 = vector.shape_cast %get3A_204 : vector<16xf32> to vector<1x16xf32>
        tpu.vector_store %arg8[%swap3A_207, %swap3A_208], %swap3A_211 {strides = array<i32>} : memref<200x128xf32, #tpu.memory_space<vmem>>, vector<1x16xf32>,
        %add3A_212 = arith.constant 100 : i32
        %add3A_213 = arith.addi %add3A_212, %scan3A_187 : i32
        %get3A_214 = arith.index_cast %add3A_213 : i32 to index
        %get3A_215 = arith.constant 32 : index
        %get3A_216 = tpu.vector_load %arg6[%get3A_214, %get3A_215] {strides = array<i32>} : memref<200x128xf32, #tpu.memory_space<vmem>>, vector<1x16xf32>,
        %get3A_217 = vector.shape_cast %get3A_216 : vector<1x16xf32> to vector<16xf32>
        %mul3A_218 = arith.constant 2 : i32
        %mul3A_219 = arith.muli %mul3A_218, %scan3A_187 : i32
        %swap3A_220 = arith.index_cast %mul3A_219 : i32 to index
        %swap3A_221 = arith.constant 32 : index
        %swap3A_222 = tpu.vector_load %arg8[%swap3A_220, %swap3A_221] {strides = array<i32>} : memref<200x128xf32, #tpu.memory_space<vmem>>, vector<1x16xf32>,
        %swap3A_223 = vector.shape_cast %swap3A_222 : vector<1x16xf32> to vector<16xf32>
        %swap3A_224 = vector.shape_cast %get3A_217 : vector<16xf32> to vector<1x16xf32>
        tpu.vector_store %arg8[%swap3A_220, %swap3A_221], %swap3A_224 {strides = array<i32>} : memref<200x128xf32, #tpu.memory_space<vmem>>, vector<1x16xf32>,
        %add3A_225 = arith.constant 100 : i32
        %add3A_226 = arith.addi %add3A_225, %scan3A_187 : i32
        %get3A_227 = arith.index_cast %add3A_226 : i32 to index
        %get3A_228 = arith.constant 48 : index
        %get3A_229 = tpu.vector_load %arg6[%get3A_227, %get3A_228] {strides = array<i32>} : memref<200x128xf32, #tpu.memory_space<vmem>>, vector<1x16xf32>,
        %get3A_230 = vector.shape_cast %get3A_229 : vector<1x16xf32> to vector<16xf32>
        %mul3A_231 = arith.constant 2 : i32
        %mul3A_232 = arith.muli %mul3A_231, %scan3A_187 : i32
        %swap3A_233 = arith.index_cast %mul3A_232 : i32 to index
        %swap3A_234 = arith.constant 48 : index
        %swap3A_235 = tpu.vector_load %arg8[%swap3A_233, %swap3A_234] {strides = array<i32>} : memref<200x128xf32, #tpu.memory_space<vmem>>, vector<1x16xf32>,
        %swap3A_236 = vector.shape_cast %swap3A_235 : vector<1x16xf32> to vector<16xf32>
        %swap3A_237 = vector.shape_cast %get3A_230 : vector<16xf32> to vector<1x16xf32>
        tpu.vector_store %arg8[%swap3A_233, %swap3A_234], %swap3A_237 {strides = array<i32>} : memref<200x128xf32, #tpu.memory_space<vmem>>, vector<1x16xf32>,
        %add3A_238 = arith.constant 100 : i32
        %add3A_239 = arith.addi %add3A_238, %scan3A_187 : i32
        %get3A_240 = arith.index_cast %add3A_239 : i32 to index
        %get3A_241 = arith.constant 64 : index
        %get3A_242 = tpu.vector_load %arg6[%get3A_240, %get3A_241] {strides = array<i32>} : memref<200x128xf32, #tpu.memory_space<vmem>>, vector<1x16xf32>,
        %get3A_243 = vector.shape_cast %get3A_242 : vector<1x16xf32> to vector<16xf32>
        %mul3A_244 = arith.constant 2 : i32
        %mul3A_245 = arith.muli %mul3A_244, %scan3A_187 : i32
        %add3A_246 = arith.constant 1 : i32
        %add3A_247 = arith.addi %mul3A_245, %add3A_246 : i32
        %swap3A_248 = arith.index_cast %add3A_247 : i32 to index
        %swap3A_249 = arith.constant 0 : index
        %swap3A_250 = tpu.vector_load %arg8[%swap3A_248, %swap3A_249] {strides = array<i32>} : memref<200x128xf32, #tpu.memory_space<vmem>>, vector<1x16xf32>,
        %swap3A_251 = vector.shape_cast %swap3A_250 : vector<1x16xf32> to vector<16xf32>
        %swap3A_252 = vector.shape_cast %get3A_243 : vector<16xf32> to vector<1x16xf32>
        tpu.vector_store %arg8[%swap3A_248, %swap3A_249], %swap3A_252 {strides = array<i32>} : memref<200x128xf32, #tpu.memory_space<vmem>>, vector<1x16xf32>,
        %add3A_253 = arith.constant 100 : i32
        %add3A_254 = arith.addi %add3A_253, %scan3A_187 : i32
        %get3A_255 = arith.index_cast %add3A_254 : i32 to index
        %get3A_256 = arith.constant 80 : index
        %get3A_257 = tpu.vector_load %arg6[%get3A_255, %get3A_256] {strides = array<i32>} : memref<200x128xf32, #tpu.memory_space<vmem>>, vector<1x16xf32>,
        %get3A_258 = vector.shape_cast %get3A_257 : vector<1x16xf32> to vector<16xf32>
        %mul3A_259 = arith.constant 2 : i32
        %mul3A_260 = arith.muli %mul3A_259, %scan3A_187 : i32
        %add3A_261 = arith.constant 1 : i32
        %add3A_262 = arith.addi %mul3A_260, %add3A_261 : i32
        %swap3A_263 = arith.index_cast %add3A_262 : i32 to index
        %swap3A_264 = arith.constant 16 : index
        %swap3A_265 = tpu.vector_load %arg8[%swap3A_263, %swap3A_264] {strides = array<i32>} : memref<200x128xf32, #tpu.memory_space<vmem>>, vector<1x16xf32>,
        %swap3A_266 = vector.shape_cast %swap3A_265 : vector<1x16xf32> to vector<16xf32>
        %swap3A_267 = vector.shape_cast %get3A_258 : vector<16xf32> to vector<1x16xf32>
        tpu.vector_store %arg8[%swap3A_263, %swap3A_264], %swap3A_267 {strides = array<i32>} : memref<200x128xf32, #tpu.memory_space<vmem>>, vector<1x16xf32>,
        %add3A_268 = arith.constant 100 : i32
        %add3A_269 = arith.addi %add3A_268, %scan3A_187 : i32
        %get3A_270 = arith.index_cast %add3A_269 : i32 to index
        %get3A_271 = arith.constant 96 : index
        %get3A_272 = tpu.vector_load %arg6[%get3A_270, %get3A_271] {strides = array<i32>} : memref<200x128xf32, #tpu.memory_space<vmem>>, vector<1x16xf32>,
        %get3A_273 = vector.shape_cast %get3A_272 : vector<1x16xf32> to vector<16xf32>
        %mul3A_274 = arith.constant 2 : i32
        %mul3A_275 = arith.muli %mul3A_274, %scan3A_187 : i32
        %add3A_276 = arith.constant 1 : i32
        %add3A_277 = arith.addi %mul3A_275, %add3A_276 : i32
        %swap3A_278 = arith.index_cast %add3A_277 : i32 to index
        %swap3A_279 = arith.constant 32 : index
        %swap3A_280 = tpu.vector_load %arg8[%swap3A_278, %swap3A_279] {strides = array<i32>} : memref<200x128xf32, #tpu.memory_space<vmem>>, vector<1x16xf32>,
        %swap3A_281 = vector.shape_cast %swap3A_280 : vector<1x16xf32> to vector<16xf32>
        %swap3A_282 = vector.shape_cast %get3A_273 : vector<16xf32> to vector<1x16xf32>
        tpu.vector_store %arg8[%swap3A_278, %swap3A_279], %swap3A_282 {strides = array<i32>} : memref<200x128xf32, #tpu.memory_space<vmem>>, vector<1x16xf32>,
        %add3A_283 = arith.constant 100 : i32
        %add3A_284 = arith.addi %add3A_283, %scan3A_187 : i32
        %get3A_285 = arith.index_cast %add3A_284 : i32 to index
        %get3A_286 = arith.constant 112 : index
        %get3A_287 = tpu.vector_load %arg6[%get3A_285, %get3A_286] {strides = array<i32>} : memref<200x128xf32, #tpu.memory_space<vmem>>, vector<1x16xf32>,
        %get3A_288 = vector.shape_cast %get3A_287 : vector<1x16xf32> to vector<16xf32>
        %mul3A_289 = arith.constant 2 : i32
        %mul3A_290 = arith.muli %mul3A_289, %scan3A_187 : i32
        %add3A_291 = arith.constant 1 : i32
        %add3A_292 = arith.addi %mul3A_290, %add3A_291 : i32
        %swap3A_293 = arith.index_cast %add3A_292 : i32 to index
        %swap3A_294 = arith.constant 48 : index
        %swap3A_295 = tpu.vector_load %arg8[%swap3A_293, %swap3A_294] {strides = array<i32>} : memref<200x128xf32, #tpu.memory_space<vmem>>, vector<1x16xf32>,
        %swap3A_296 = vector.shape_cast %swap3A_295 : vector<1x16xf32> to vector<16xf32>
        %swap3A_297 = vector.shape_cast %get3A_288 : vector<16xf32> to vector<1x16xf32>
        tpu.vector_store %arg8[%swap3A_293, %swap3A_294], %swap3A_297 {strides = array<i32>} : memref<200x128xf32, #tpu.memory_space<vmem>>, vector<1x16xf32>,
      }
      %scan3A_166 = arith.constant 100 : i32
      %add3A_167 = arith.addi %mul3A_2, %add3A_122 : i32
      %mul3A_168 = arith.constant 2 : i32
      %mul3A_169 = arith.muli %mul3A_168, %add3A_167 : i32
      %add3A_170 = arith.constant 1 : i32
      %add3A_171 = arith.addi %mul3A_169, %add3A_170 : i32
      %dma_start3A_172 = arith.constant 0 : i32
      %dma_start3A_173 = arith.constant 0 : i32
      %dma_start3A_174 = tpu.memref_slice %arg4[%add3A_171, %dma_start3A_172, %dma_start3A_173] : memref<4096x200x128xf32, #tpu.memory_space<hbm>> -> memref<1x200x128xf32, #tpu.memory_space<hbm>>
      %dma_start3A_175 = tpu.memref_squeeze %dma_start3A_174 : memref<1x200x128xf32, #tpu.memory_space<hbm>> -> memref<200x128xf32, #tpu.memory_space<hbm>>
      %dma_start3A_176 = arith.constant 0 : i32
      %dma_start3A_177 = arith.constant 0 : i32
      %dma_start3A_178 = tpu.memref_slice %arg4[%add3A_171, %dma_start3A_176, %dma_start3A_177] : memref<4096x200x128xf32, #tpu.memory_space<hbm>> -> memref<1x200x128xf32, #tpu.memory_space<hbm>>
      %dma_start3A_179 = tpu.memref_squeeze %dma_start3A_178 : memref<1x200x128xf32, #tpu.memory_space<hbm>> -> memref<200x128xf32, #tpu.memory_space<hbm>>
      tpu.enqueue_dma source(%arg8 : memref<200x128xf32, #tpu.memory_space<vmem>>) target(%dma_start3A_179 : memref<200x128xf32, #tpu.memory_space<hbm>>) target_semaphore(%arg12 : memref<!tpu.dma_semaphore, #tpu.memory_space<semaphore_mem>>)
      %add3A_180 = arith.constant 2 : i32
      %add3A_181 = arith.addi %add3A_122, %add3A_180 : i32
      %lt3A_182 = arith.constant 64 : i32
      %lt3A_183 = arith.cmpi slt, %add3A_181, %lt3A_182 : i32
      %convert_element_type3A_184 = arith.extui %lt3A_183 : i1 to i32
      %cond3A_185 = arith.constant 0 : i32
      %cond3A_186 = arith.cmpi ne, %convert_element_type3A_184, %cond3A_185 : i32
      scf.if %cond3A_186 {
        %add3A_187 = arith.constant 2 : i32
        %add3A_188 = arith.addi %add3A_122, %add3A_187 : i32
        %add3A_189 = arith.addi %mul3A_2, %add3A_188 : i32
        %dma_start3A_190 = arith.constant 0 : i32
        %dma_start3A_191 = arith.constant 0 : i32
        %dma_start3A_192 = tpu.memref_slice %arg2[%add3A_189, %dma_start3A_190, %dma_start3A_191] : memref<2048x200x128xf32, #tpu.memory_space<hbm>> -> memref<1x200x128xf32, #tpu.memory_space<hbm>>
        %dma_start3A_193 = tpu.memref_squeeze %dma_start3A_192 : memref<1x200x128xf32, #tpu.memory_space<hbm>> -> memref<200x128xf32, #tpu.memory_space<hbm>>
        %dma_start3A_194 = arith.constant 0 : i32
        %dma_start3A_195 = arith.constant 0 : i32
        %dma_start3A_196 = tpu.memref_slice %arg2[%add3A_189, %dma_start3A_194, %dma_start3A_195] : memref<2048x200x128xf32, #tpu.memory_space<hbm>> -> memref<1x200x128xf32, #tpu.memory_space<hbm>>
        %dma_start3A_197 = tpu.memref_squeeze %dma_start3A_196 : memref<1x200x128xf32, #tpu.memory_space<hbm>> -> memref<200x128xf32, #tpu.memory_space<hbm>>
        tpu.enqueue_dma source(%dma_start3A_197 : memref<200x128xf32, #tpu.memory_space<hbm>>) target(%arg6 : memref<200x128xf32, #tpu.memory_space<vmem>>) target_semaphore(%arg10 : memref<!tpu.dma_semaphore, #tpu.memory_space<semaphore_mem>>)
      } else {
      }
    }
    %scan3A_26 = arith.constant 32 : i32
    %add3A_27 = arith.constant 63 : i32
    %add3A_28 = arith.addi %mul3A_2, %add3A_27 : i32
    %mul3A_29 = arith.constant 2 : i32
    %mul3A_30 = arith.muli %mul3A_29, %add3A_28 : i32
    %add3A_31 = arith.constant 0 : i32
    %add3A_32 = arith.addi %mul3A_30, %add3A_31 : i32
    %dma_wait3A = arith.constant 0 : i32
    %dma_wait3A_33 = arith.constant 0 : i32
    %dma_wait3A_34 = tpu.memref_slice %arg4[%add3A_32, %dma_wait3A, %dma_wait3A_33] : memref<4096x200x128xf32, #tpu.memory_space<hbm>> -> memref<1x200x128xf32, #tpu.memory_space<hbm>>
    %dma_wait3A_35 = tpu.memref_squeeze %dma_wait3A_34 : memref<1x200x128xf32, #tpu.memory_space<hbm>> -> memref<200x128xf32, #tpu.memory_space<hbm>>
    %dma_wait3A_36 = arith.constant 0 : i32
    %dma_wait3A_37 = arith.constant 0 : i32
    %dma_wait3A_38 = tpu.memref_slice %arg4[%add3A_32, %dma_wait3A_36, %dma_wait3A_37] : memref<4096x200x128xf32, #tpu.memory_space<hbm>> -> memref<1x200x128xf32, #tpu.memory_space<hbm>>
    %dma_wait3A_39 = tpu.memref_squeeze %dma_wait3A_38 : memref<1x200x128xf32, #tpu.memory_space<hbm>> -> memref<200x128xf32, #tpu.memory_space<hbm>>
    tpu.wait_dma2 semaphore(%arg11 : memref<!tpu.dma_semaphore, #tpu.memory_space<semaphore_mem>>) src(%arg7 : memref<200x128xf32, #tpu.memory_space<vmem>>) dst(%dma_wait3A_39 : memref<200x128xf32, #tpu.memory_space<hbm>>)
    %add3A_40 = arith.constant 63 : i32
    %add3A_41 = arith.addi %mul3A_2, %add3A_40 : i32
    %mul3A_42 = arith.constant 2 : i32
    %mul3A_43 = arith.muli %mul3A_42, %add3A_41 : i32
    %add3A_44 = arith.constant 1 : i32
    %add3A_45 = arith.addi %mul3A_43, %add3A_44 : i32
    %dma_wait3A_46 = arith.constant 0 : i32
    %dma_wait3A_47 = arith.constant 0 : i32
    %dma_wait3A_48 = tpu.memref_slice %arg4[%add3A_45, %dma_wait3A_46, %dma_wait3A_47] : memref<4096x200x128xf32, #tpu.memory_space<hbm>> -> memref<1x200x128xf32, #tpu.memory_space<hbm>>
    %dma_wait3A_49 = tpu.memref_squeeze %dma_wait3A_48 : memref<1x200x128xf32, #tpu.memory_space<hbm>> -> memref<200x128xf32, #tpu.memory_space<hbm>>
    %dma_wait3A_50 = arith.constant 0 : i32
    %dma_wait3A_51 = arith.constant 0 : i32
    %dma_wait3A_52 = tpu.memref_slice %arg4[%add3A_45, %dma_wait3A_50, %dma_wait3A_51] : memref<4096x200x128xf32, #tpu.memory_space<hbm>> -> memref<1x200x128xf32, #tpu.memory_space<hbm>>
    %dma_wait3A_53 = tpu.memref_squeeze %dma_wait3A_52 : memref<1x200x128xf32, #tpu.memory_space<hbm>> -> memref<200x128xf32, #tpu.memory_space<hbm>>
    tpu.wait_dma2 semaphore(%arg12 : memref<!tpu.dma_semaphore, #tpu.memory_space<semaphore_mem>>) src(%arg8 : memref<200x128xf32, #tpu.memory_space<vmem>>) dst(%dma_wait3A_53 : memref<200x128xf32, #tpu.memory_space<hbm>>)
    return
  }
}

</mosaic_0001>

<sc_bundles>
// kernel: kernel.3.cloned.1.call-start
scs
__scs_entry_jumppad:
0x0: {  	(pc) =	sbr.rel $0x88, $3  }
0x1: {  	(tag) =	ssettag $0x0;
	lr =	simm.s32 $0x1  }
0x2: {  	[smem:$0x3F9F] =	sst lr;
	_ =	strace $0xD0000000  }
0x3: {  	_ = 	snop  }
0x4: {  	_ = 	snop  }
0x5: {  	_ = 	snop  }
0x6: {  	_ = 	snop  }
0x7: {  	_ = 	snop  }
__scs_overlays_trampoline_lowered:
0x8: {  	[smem:$0x3FAE] =	sst s0  }
0x9: {  	[smem:$0x3FAF] =	sst s1  }
0xa: {  	[smem:$0x3FB0] =	sst s2  }
0xb: {  	[smem:$0x3FB1] =	sst s3  }
0xc: {  	[smem:$0x3FB2] =	sst s4  }
0xd: {  	[smem:$0x3FB3] =	sst s5  }
0xe: {  	[smem:$0x3FB4] =	sst s6  }
0xf: {  	[smem:$0x3FB5] =	sst s7  }
0x10: {  	[smem:$0x3FB6] =	sst s8  }
0x11: {  	[smem:$0x3FB7] =	sst s9;
	s0 =	simm.s32 @!p0 $0x0  }
0x12: {  	s1 =	sld [smem:$0x3F9D];
	s0 =	simm.s32 @p0 $0x1  }
0x13: {  	[smem:$0x3FB8] =	sst s0;
	s0 =	simm.s32 @!p1 $0x0  }
0x14: {  	s2 =	sld [smem:$0x3F9C];
	s0 =	simm.s32 @p1 $0x1  }
0x15: {  	[smem:$0x3FB9] =	sst s0;
	s0 =	simm.s32 @!p2 $0x0  }
0x16: {  	s3 =	sld [smem:$0x3FDB];
	s0 =	simm.s32 @p2 $0x1  }
0x17: {  	s4 =	simm.s32 $0x1BF5;
	[smem:$0x3FBB] =	sst s0  }
0x18: {  	s0 =	sld [smem:$0x3F9E];
	_ =	swait.ge [sflag:s4], $0x0  }
0x19: {  	s7 =	sld [smem:$0x3F9F]  }
0x1a: {  	s8 =	sadd.s32 $0xFFFFE003, lr  }
0x1b: {  	s9 =	sadd.s32 $0xFFFFFEF7, lr;
	s5 =	simm.s32 $0xFFFFFFFF;
	p2 =	slt.u32 s8, $0xFFFFF086  }
0x1c: {  	p1 =	slt.u32 s9, $0xF7A;
	s5 =	simm.s32 @!p2 $0x0  }
0x1d: {  	s5 =	simm.s32 @p1 $0x1;
	p0 =	seq.s32 s7, s2  }
0x1e: {  	s7 =	smul.u32 @!p0 $0xF7A, s2;
	p2 =	seq.s32 @!p0 s5, $0x0  }
0x1f: {  	s9 =	smul.u32 $0xF7A, s1;
	s8 =	simm.s32 @!p0 $0x1BF5;
	p2 =	por !p2, p0  }
0x20: {  	[sflag:s8] =	ssyncset.s32 @!p0 $0xFFFFF086;
	s6 =	sadd.s32 @!p0 s3, s7;
	s7 =	simm.s32 @!p0 $0x108  }
0x21: {  	s3 =	sadd.s32 s3, s9;
	s6 =	sadd.s32 @!p0 $0x88, s6;
	s7 =	simm.s32 @p2 $0x1082  }
0x22: {  	[simem:s7], [sflag:s8] =	dma.local @!p0 [hbm:s6], $0xF7A  }
0x23: {  	s9 =	sor.u32 $0xD0000000, s2;
	s6 =	simm.s32 $0x108;
	_ =	swait.ge @!p0 [sflag:s8], $0x0  }
0x24: {  	s3 =	sadd.s32 $0x88, s3;
	s6 =	simm.s32 @!p1 $0x1082;
	[sflag:s4] =	ssyncset.s32 $0xFFFFF086  }
0x25: {  	[simem:s6], [sflag:s4] =	dma.local [hbm:s3], $0xF7A  }
0x26: {  	[smem:$0x3F9F] =	sst s1;
	(tag) =	ssettag s2;
	_ =	strace s9  }
0x27: {  	s1 =	sld [smem:$0x3FAF]  }
0x28: {  	s2 =	sld [smem:$0x3FB0]  }
0x29: {  	s4 =	sld [smem:$0x3FB2]  }
0x2a: {  	p0 =	seq.s32 s5, $0x0;
	s5 =	sld [smem:$0x3FB3]  }
0x2b: {  	s6 =	sld [smem:$0x3FB4]  }
0x2c: {  	s7 =	sld [smem:$0x3FB5]  }
0x2d: {  	s3 =	simm.s32 $0x108;
	s8 =	sld [smem:$0x3FB6]  }
0x2e: {  	s3 =	simm.s32 @!p0 $0x1082;
	s9 =	sld [smem:$0x3FB7]  }
0x2f: {  	lr =	sadd.s32 s0, s3;
	s0 =	sld [smem:$0x3FAE]  }
0x30: {  	s3 =	sld [smem:$0x3FB1]  }
0x31: {  	[smem:$0x3FBA] =	sst s10  }
0x32: {  	s10 =	sld [smem:$0x3FB8];
	_ =	sdelay $0x3  }
0x33: {  	p0 =	seq.s32 s10, $0x1;
	s10 =	sld [smem:$0x3FBA];
	_ =	sdelay $0x3  }
0x34: {  	[smem:$0x3FBA] =	sst s10  }
0x35: {  	s10 =	sld [smem:$0x3FB9];
	_ =	sdelay $0x3  }
0x36: {  	p1 =	seq.s32 s10, $0x1;
	s10 =	sld [smem:$0x3FBA];
	_ =	sdelay $0x3  }
0x37: {  	[smem:$0x3FBA] =	sst s10  }
0x38: {  	s10 =	sld [smem:$0x3FBB]  }
0x39: {  	_ = 	snop;
	(pc) =	sbr.ind lr, $3  }
0x3a: {  	_ = 	snop  }
0x3b: {  	_ = 	snop  }
0x3c: {  	p2 =	seq.s32 s10, $0x1;
	s10 =	sld [smem:$0x3FBA]  }
0x3d: {  	_ =	shalt  }
0x3e: {  	_ =	shalt  }
0x3f: {  	_ =	shalt  }
0x40: {  	_ =	shalt  }
0x41: {  	_ =	shalt  }
0x42: {  	_ =	shalt  }
0x43: {  	_ =	shalt  }
0x44: {  	_ =	shalt  }
0x45: {  	_ =	shalt  }
0x46: {  	_ =	shalt  }
0x47: {  	_ =	shalt  }
0x48: {  	_ =	shalt  }
0x49: {  	_ =	shalt  }
0x4a: {  	_ =	shalt  }
0x4b: {  	_ =	shalt  }
0x4c: {  	_ =	shalt  }
0x4d: {  	_ =	shalt  }
0x4e: {  	_ =	shalt  }
0x4f: {  	_ =	shalt  }
0x50: {  	_ =	shalt  }
0x51: {  	_ =	shalt  }
0x52: {  	_ =	shalt  }
0x53: {  	_ =	shalt  }
0x54: {  	_ =	shalt  }
0x55: {  	_ =	shalt  }
0x56: {  	_ =	shalt  }
0x57: {  	_ =	shalt  }
0x58: {  	_ =	shalt  }
0x59: {  	_ =	shalt  }
0x5a: {  	_ =	shalt  }
0x5b: {  	_ =	shalt  }
0x5c: {  	_ =	shalt  }
0x5d: {  	_ =	shalt  }
0x5e: {  	_ =	shalt  }
0x5f: {  	_ =	shalt  }
0x60: {  	_ =	shalt  }
0x61: {  	_ =	shalt  }
0x62: {  	_ =	shalt  }
0x63: {  	_ =	shalt  }
0x64: {  	_ =	shalt  }
0x65: {  	_ =	shalt  }
0x66: {  	_ =	shalt  }
0x67: {  	_ =	shalt  }
0x68: {  	_ =	shalt  }
0x69: {  	_ =	shalt  }
0x6a: {  	_ =	shalt  }
0x6b: {  	_ =	shalt  }
0x6c: {  	_ =	shalt  }
0x6d: {  	_ =	shalt  }
0x6e: {  	_ =	shalt  }
0x6f: {  	_ =	shalt  }
0x70: {  	_ =	shalt  }
0x71: {  	_ =	shalt  }
0x72: {  	_ =	shalt  }
0x73: {  	_ =	shalt  }
0x74: {  	_ =	shalt  }
0x75: {  	_ =	shalt  }
0x76: {  	_ =	shalt  }
0x77: {  	_ =	shalt  }
0x78: {  	_ =	shalt  }
0x79: {  	_ =	shalt  }
0x7a: {  	_ =	shalt  }
0x7b: {  	_ =	shalt  }
0x7c: {  	_ =	shalt  }
0x7d: {  	_ =	shalt  }
0x7e: {  	_ =	shalt  }
0x7f: {  	_ =	shalt  }
0x80: {  	_ =	shalt  }
0x81: {  	_ =	shalt  }
0x82: {  	_ =	shalt  }
0x83: {  	_ =	shalt  }
0x84: {  	_ =	shalt  }
0x85: {  	_ =	shalt  }
0x86: {  	_ =	shalt  }
0x87: {  	_ =	shalt  }
.Lfunc_end0:
.L_simem_size_0:
called_computation_lowered:
.L_overlay_start_0:
0x88: {  	s2 =	sld [smem:$0x3FD9]  }
0x89: {  	s3 =	sld [smem:$0x3FFE];
	_ =	sdelay $0x1  }
0x8a: {  	s1 =	srdreg.scid  }
0x8b: {  	s0 =	sand.u32 $0x1, s1  }
0x8c: {  	s17 =	sshll.u32 s0, $0xA;
	s2 =	sadd.s32 s3, s2  }
0x8d: {  	s2 =	sadd.s32 s2, s17  }
0x8e: {  	[smem:$0x3FC6] =	sst s2  }
0x8f: {  	_ = 	snop  }
0x90: {  	s2 =	sld [smem:$0x3FD0];
	(tm) =	ssettm $0x1  }
0x91: {  	s18 =	sld [smem:$0x3FFB];
	_ =	sdelay $0x3  }
0x92: {  	_ =	strace s18  }
0x93: {  	s3 =	sld [smem:$0x3FFC];
	_ =	sdelay $0x3  }
0x94: {  	_ =	strace s3  }
0x95: {  	s3 =	sld [smem:$0x3FFD];
	_ =	sdelay $0x3  }
0x96: {  	_ =	strace s3  }
0x97: {  	_ =	strace $0x8FFFFFFF  }
0x98: {  	s19 =	sld [smem:$0x3FDB];
	_ =	sdelay $0x1  }
0x99: {  	s4 =	simm.s32 $_scs_section_size  }
0x9a: {  	s5 =	simm.s32 $_size__tile_overlayer_lowered;
	s6 =	simm.s32 $_tile_overlayer_lowered  }
0x9b: {  	s22 =	simm.s32 $0x1BFF;
	s21 =	sshll.u32 s6, $0x1;
	s3 =	sadd.s32 s4, s19  }
0x9c: {  	s7 =	simm.s32 $0x0;
	s20 =	sshll.u32 s5, $0x1;
	s5 =	sadd.s32 s21, s3  }
0x9d: {  	[timem:s7], [sflag:s22] =	dma.local [hbm:s5], s20  }
0x9e: {  	_ =	swait.ge [sflag:s22], s20  }
0x9f: {  	s4 =	ssub.s32 $0x0, s20;
	[sflag:s22] =	ssyncset.done $0x0  }
0xa0: {  	[sflag:s22] =	ssyncadd.s32 s4;
	_ =	sdelay $0x1  }
0xa1: {  	s23 =	simm.s32 $0x1B8B  }
0xa2: {  	_ =	swait.ge [sflag:s23], $0x1  }
0xa3: {  	[sflag:s23] =	ssyncset.done $0x0  }
0xa4: {  	s25 =	simm.s32 $0x1B8E;
	s24 =	sld [smem:$0x3FFE];
	[sflag:s23] =	ssyncadd.s32 $0xFFFFFFFF  }
0xa5: {  	s26 =	simm.s32 $execute0_lowered;
	[smem:$0x3FD2] =	sst s25  }
0xa6: {  	s5 =	sshll.u32 s26, $0x1;
	_ =	strace $0x80000046;
	[dreg:$0x1] =	wrdreg $0xFFFFFFFF  }
0xa7: {  	s28 =	simm.s32 $_size_execute0_lowered;
	s3 =	sadd.s32 s3, s5;
	[dreg:$0x0] =	wrdreg $0x0  }
0xa8: {  	s5 =	sshll.u32 s28, $0x1;
	[dreg:$0x2] =	wrdreg s3  }
0xa9: {  	[dreg:$0x3] =	wrdreg s5  }
0xaa: {  	[dreg:$0x4] =	wrdreg $0xC0  }
0xab: {  	_ =	task [dreg:s7], $0x5FFFF  }
0xac: {  	[dreg:$0x1] =	wrdreg $0xFFFFFFFF  }
0xad: {  	[dreg:$0x0] =	wrdreg $0x60  }
0xae: {  	[dreg:$0x2] =	wrdreg s24  }
0xaf: {  	[dreg:$0x3] =	wrdreg s2  }
0xb0: {  	[dreg:$0x4] =	wrdreg $0x9  }
0xb1: {  	_ =	task.clear_ibuf [dreg:s7], $0x5FFFF;
	_ =	strace $0x90000046  }
0xb2: {  	s29 =	simm.s32 $0x9;
	_ =	strace $0x80000048  }
0xb3: {  	_ =	swait.ge [sflag:s29], $0x1  }
0xb4: {  	[sflag:s29] =	ssyncadd.s32 $0xFFFFFFFF  }
0xb5: {  	_ =	strace $0x90000048  }
0xb6: {  	_ =	sfence  }
0xb7: {  	s30 =	sld [smem:$0x0];
	_ =	sdelay $0x2  }
0xb8: {  	s31 =	sshll.u32 s1, $0xD;
	s1 =	sshrl.u32 s1, $0x2  }
0xb9: {  	s3 =	sand.u32 $0x4000, s31;
	s1 =	sadd.s32 s1, s30  }
0xba: {  	s0 =	sor.u32 s3, s0;
	s1 =	sshll.u32 s1, $0x11  }
0xbb: {  	s0 =	sor.u32 s1, s0  }
0xbc: {  	s0 =	sadd.s32 $0x8F2B, s0  }
0xbd: {  	[sflag:s0] =	ssyncadd.remote.s32 $0x1  }
0xbe: {  	_ =	sfence.sel $0xFFFF  }
0xbf: {  	[dreg:$0x0] =	wrdreg $0xFFFFFFFF;
	(pc) =	sbr.abs _section_cstart, $3  }
0xc0: {  	[dreg:$0x1] =	wrdreg $0xFFFFFFFF  }
0xc1: {  	_ =	task.clear_ibuf [dreg:s7], $0x2FFFF;
	_ =	strace $0x9FFFFFFF  }
0xc2: {  	(tm) =	ssettm $0x7FFFFFFF  }
0xc3: {  	_ =	shalt  }
tec
execute0_lowered:
.L_overlay_start_1:
0x0: {  	(tag) =	ssettag $0x1  }
0x1: {  	s1 =	srdreg.scid  }
0x2: {  	s0 =	stileid.u32;
	s7 =	rddreg [dreg:$0x0]  }
0x3: {  	s2 =	rddreg [dreg:$0x1];
	s4 =	simm.s32 $0x0;
	s12 =	simm.s32 $0xC800  }
0x4: {  	s13 =	simm.s32 $0x5;
	s14 =	simm.s32 $0x12C00;
	s15 =	simm.s32 $0x6400  }
0x5: {  	s16 =	simm.s32 $0x1;
	s17 =	simm.s32 $0x2;
	s18 =	simm.s32 $0x3  }
0x6: {  	s19 =	simm.s32 $0x4;
	s20 =	simm.s32 $0x0;
	s6 =	sand.u32 $0x1, s1  }
0x7: {  	s31 =	sshll.u32 s0, $0x7;
	s1 =	rddreg [dreg:$0x2];
	s3 =	sshll.u32 s6, $0x6  }
.Ltmp0:
0x8: {  	[smem:$0x7FF] =	sst s4;
	s3 =	sor.u32 s3, s31;
	(pc) =	sbr.rel .LBB2_1-.Ltmp0, $4  }
0x9: {  	s5 =	sadd.s32 $0x1400, s7;
	s9 =	ssub.s32 $0x2, s6;
	s8 =	smul.u32 $0xC80, s3  }
0xa: {  	s7 =	sadd.s32 $0x600, s7;
	_ =	strace $0x80000047;
	s10 =	sshrl.u32 s9, $0x1  }
0xb: {  	s11 =	ssub.s32 s9, s10;
	s9 =	sor.u32 $0x2, s3;
	s6 =	sadd.s32 s5, s8  }
0xc: {  	s10 =	sor.u32 $0x3, s3;
	s11 =	smax.u32 s11, $0x1;
	s8 =	sadd.s32 $0xC80, s6  }
.LBB2_12:
0xd: {  	s20 =	sadd.s32 $0x1, s20  }
0xe: {  	_ =	swait.ge [sflag:s18], $0x6400;
	p0 =	sne.s32 s20, s11  }
.Ltmp1:
0xf: {  	[sflag:s18] =	ssyncset.done $0x0;
	(pc) =	sbr.rel @!p0 .LBB2_13-.Ltmp1, $4  }
0x10: {  	[sflag:s18] =	ssyncadd.s32 $0xFFFF9C00  }
0x11: {  	_ =	swait.ge [sflag:s19], $0x6400  }
0x12: {  	[sflag:s19] =	ssyncset.done $0x0  }
0x13: {  	[sflag:s19] =	ssyncadd.s32 $0xFFFF9C00  }
.LBB2_1:
0x14: {  	[tilespmem:s12], [sflag:$0x5] =	stream.linear.gather [hbm4b:s7+s4], $0x6400, $0x38;
	[tilespmem:$0x19000] =	vst v63  }
0x15: {  	_ =	swait.ge [sflag:s13], $0x6400  }
0x16: {  	[sflag:s13] =	ssyncset.done $0x0  }
0x17: {  	[sflag:s13] =	ssyncadd.s32 $0xFFFF9C00  }
0x18: {  	[tilespmem:s14], [sflag:$0x5] =	stream.linear.gather [hbm4b:s7+s4], $0x6400, $0x38;
	[tilespmem:$0x19000] =	vst v63  }
0x19: {  	_ =	swait.ge [sflag:s13], $0x6400  }
0x1a: {  	[sflag:s13] =	ssyncset.done $0x0  }
0x1b: {  	[sflag:s13] =	ssyncadd.s32 $0xFFFF9C00  }
0x1c: {  	[tilespmem:s4], [sflag:$0x1] =	stream.linear.gather [hbm4b:s6+s4], $0x6400, $0x38;
	[tilespmem:$0x19000] =	vst v63  }
0x1d: {  	s21 =	simm.s32 $0x0  }
0x1e: {  	[tilespmem:s15], [sflag:$0x2] =	stream.linear.gather [hbm4b:s8+s4], $0x6400, $0x38;
	[tilespmem:$0x19000] =	vst v63  }
.LBB2_2:
0x1f: {  	_ =	swait.ge [sflag:s16], $0x6400  }
0x20: {  	p0 =	seq.s32 s21, $0x0;
	[sflag:s16] =	ssyncset.done $0x0  }
0x21: {  	s22 =	simm.s32 @!p0 $0x3;
	[sflag:s16] =	ssyncadd.s32 $0xFFFF9C00  }
0x22: {  	_ =	swait.ge @!p0 [sflag:s22], $0x6400  }
0x23: {  	[sflag:s22] =	ssyncset.done @!p0 $0x0  }
0x24: {  	s31 =	simm.s32 $0x0;
	[sflag:s22] =	ssyncadd.s32 @!p0 $0xFFFF9C00  }
0x25: {  	v0 =	vld [tilespmem:s31+$0x0];
	_ =	sdelay $0x3  }
0x26: {  	s24 =	simm.s32 $0xC880  }
0x27: {  	[tilespmem:s24+$0xFFFFFF80] =	vst v0  }
0x28: {  	v0 =	vld [tilespmem:s31+$0x10];
	_ =	sdelay $0x4  }
0x29: {  	[tilespmem:s24+$0xFFFFFF90] =	vst v0  }
0x2a: {  	v0 =	vld [tilespmem:s31+$0x20];
	_ =	sdelay $0x4  }
0x2b: {  	[tilespmem:s24+$0xFFFFFFA0] =	vst v0  }
0x2c: {  	v0 =	vld [tilespmem:s31+$0x30];
	_ =	sdelay $0x4  }
0x2d: {  	[tilespmem:s24+$0xFFFFFFB0] =	vst v0  }
0x2e: {  	v0 =	vld [tilespmem:s31+$0x40];
	_ =	sdelay $0x4  }
0x2f: {  	[tilespmem:s24+$0x0] =	vst v0  }
0x30: {  	v0 =	vld [tilespmem:s31+$0x50];
	_ =	sdelay $0x4  }
0x31: {  	[tilespmem:s24+$0x10] =	vst v0  }
0x32: {  	v0 =	vld [tilespmem:s31+$0x60];
	_ =	sdelay $0x4  }
0x33: {  	[tilespmem:s24+$0x20] =	vst v0  }
0x34: {  	v0 =	vld [tilespmem:s31+$0x70];
	_ =	sdelay $0x3  }
0x35: {  	s22 =	sshll.u32 s21, $0x1  }
0x36: {  	s25 =	simm.s32 $0x80;
	s26 =	simm.s32 $0x400;
	s23 =	sor.u32 s3, s22;
	[tilespmem:s24+$0x30] =	vst v0  }
.LBB2_3:
0x37: {  	p1 =	sne.s32 s26, $0xC600;
	v0 =	vld [tilespmem:s25+$0x0];
	_ =	sdelay $0x3  }
0x38: {  	s24 =	sadd.s32 $0x100, s24  }
0x39: {  	[tilespmem:s24+$0xFFFFFF80] =	vst v0  }
0x3a: {  	v0 =	vld [tilespmem:s25+$0x10];
	_ =	sdelay $0x4  }
0x3b: {  	[tilespmem:s24+$0xFFFFFF90] =	vst v0  }
0x3c: {  	v0 =	vld [tilespmem:s25+$0x20];
	_ =	sdelay $0x4  }
0x3d: {  	[tilespmem:s24+$0xFFFFFFA0] =	vst v0  }
0x3e: {  	v0 =	vld [tilespmem:s25+$0x30];
	_ =	sdelay $0x4  }
0x3f: {  	[tilespmem:s24+$0xFFFFFFB0] =	vst v0  }
0x40: {  	v0 =	vld [tilespmem:s25+$0x40];
	_ =	sdelay $0x4  }
0x41: {  	[tilespmem:s24+$0x0] =	vst v0  }
0x42: {  	v0 =	vld [tilespmem:s25+$0x50];
	_ =	sdelay $0x4  }
0x43: {  	[tilespmem:s24+$0x10] =	vst v0  }
0x44: {  	v0 =	vld [tilespmem:s25+$0x60];
	_ =	sdelay $0x4  }
0x45: {  	[tilespmem:s24+$0x20] =	vst v0  }
0x46: {  	v0 =	vld [tilespmem:s25+$0x70]  }
.Ltmp2:
0x47: {  	(pc) =	sbr.rel @p1 .LBB2_3-.Ltmp2, $2  }
0x48: {  	_ =	sdelay $0x2  }
0x49: {  	s25 =	sshra.s32 s26, $0x2;
	s26 =	sadd.s32 $0x200, s26;
	[tilespmem:s24+$0x30] =	vst v0  }
0x4a: {  	v0 =	vld [tilespmem:s25+$0x0];
	_ =	sdelay $0x3  }
0x4b: {  	s24 =	sadd.s32 $0x100, s24  }
0x4c: {  	[tilespmem:s24+$0xFFFFFF80] =	vst v0  }
0x4d: {  	v0 =	vld [tilespmem:s25+$0x10];
	_ =	sdelay $0x4  }
0x4e: {  	[tilespmem:s24+$0xFFFFFF90] =	vst v0  }
0x4f: {  	v0 =	vld [tilespmem:s25+$0x20];
	_ =	sdelay $0x4  }
0x50: {  	[tilespmem:s24+$0xFFFFFFA0] =	vst v0  }
0x51: {  	v0 =	vld [tilespmem:s25+$0x30];
	_ =	sdelay $0x4  }
0x52: {  	[tilespmem:s24+$0xFFFFFFB0] =	vst v0  }
0x53: {  	v0 =	vld [tilespmem:s25+$0x40];
	_ =	sdelay $0x4  }
0x54: {  	[tilespmem:s24+$0x0] =	vst v0  }
0x55: {  	v0 =	vld [tilespmem:s25+$0x50];
	_ =	sdelay $0x4  }
0x56: {  	[tilespmem:s24+$0x10] =	vst v0  }
0x57: {  	v0 =	vld [tilespmem:s25+$0x60];
	_ =	sdelay $0x4  }
0x58: {  	[tilespmem:s24+$0x20] =	vst v0  }
0x59: {  	v0 =	vld [tilespmem:s25+$0x70];
	_ =	sdelay $0x2  }
0x5a: {  	s29 =	smul.u32 $0x1900, s23;
	_ =	sdelay $0x1  }
0x5b: {  	s30 =	sadd.s32 s2, s29;
	[tilespmem:s24+$0x30] =	vst v0;
	s24 =	simm.s32 @!p0 $0x4  }
0x5c: {  	[hbm4b:s30+s4] =	stream.linear.scatter [tilespmem:s12], [sflag:$0x3], $0x6400, $0x38;
	[tilespmem:$0x19000] =	vst v63  }
0x5d: {  	_ =	swait.ge @!p0 [sflag:s24], $0x6400  }
0x5e: {  	[sflag:s24] =	ssyncset.done @!p0 $0x0  }
0x5f: {  	s31 =	simm.s32 $0x0;
	[sflag:s24] =	ssyncadd.s32 @!p0 $0xFFFF9C00  }
0x60: {  	v63 =	vld [tilespmem:s31+$0x3200];
	_ =	sdelay $0x3  }
0x61: {  	s24 =	simm.s32 $0x12C80  }
0x62: {  	[tilespmem:s24+$0xFFFFFF80] =	vst v63  }
0x63: {  	v0 =	vld [tilespmem:s31+$0x3210];
	_ =	sdelay $0x4  }
0x64: {  	[tilespmem:s24+$0xFFFFFF90] =	vst v0  }
0x65: {  	v0 =	vld [tilespmem:s31+$0x3220];
	_ =	sdelay $0x4  }
0x66: {  	[tilespmem:s24+$0xFFFFFFA0] =	vst v0  }
0x67: {  	v0 =	vld [tilespmem:s31+$0x3230];
	_ =	sdelay $0x4  }
0x68: {  	[tilespmem:s24+$0xFFFFFFB0] =	vst v0  }
0x69: {  	v0 =	vld [tilespmem:s31+$0x3240];
	_ =	sdelay $0x4  }
0x6a: {  	[tilespmem:s24+$0x0] =	vst v0  }
0x6b: {  	v0 =	vld [tilespmem:s31+$0x3250];
	_ =	sdelay $0x4  }
0x6c: {  	[tilespmem:s24+$0x10] =	vst v0  }
0x6d: {  	v0 =	vld [tilespmem:s31+$0x3260];
	_ =	sdelay $0x4  }
0x6e: {  	[tilespmem:s24+$0x20] =	vst v0  }
0x6f: {  	v0 =	vld [tilespmem:s31+$0x3270];
	_ =	sdelay $0x4  }
0x70: {  	s26 =	simm.s32 $0x400;
	s25 =	simm.s32 $0x80;
	[tilespmem:s24+$0x30] =	vst v0  }
.LBB2_5:
0x71: {  	p0 =	sne.s32 s26, $0xC600;
	v0 =	vld [tilespmem:s25+$0x3200];
	_ =	sdelay $0x3  }
0x72: {  	s24 =	sadd.s32 $0x100, s24  }
0x73: {  	[tilespmem:s24+$0xFFFFFF80] =	vst v0  }
0x74: {  	v0 =	vld [tilespmem:s25+$0x3210];
	_ =	sdelay $0x4  }
0x75: {  	[tilespmem:s24+$0xFFFFFF90] =	vst v0  }
0x76: {  	v0 =	vld [tilespmem:s25+$0x3220];
	_ =	sdelay $0x4  }
0x77: {  	[tilespmem:s24+$0xFFFFFFA0] =	vst v0  }
0x78: {  	v0 =	vld [tilespmem:s25+$0x3230];
	_ =	sdelay $0x4  }
0x79: {  	[tilespmem:s24+$0xFFFFFFB0] =	vst v0  }
0x7a: {  	v0 =	vld [tilespmem:s25+$0x3240];
	_ =	sdelay $0x4  }
0x7b: {  	[tilespmem:s24+$0x0] =	vst v0  }
0x7c: {  	v0 =	vld [tilespmem:s25+$0x3250];
	_ =	sdelay $0x4  }
0x7d: {  	[tilespmem:s24+$0x10] =	vst v0  }
0x7e: {  	v0 =	vld [tilespmem:s25+$0x3260];
	_ =	sdelay $0x4  }
0x7f: {  	[tilespmem:s24+$0x20] =	vst v0  }
0x80: {  	v0 =	vld [tilespmem:s25+$0x3270]  }
.Ltmp3:
0x81: {  	(pc) =	sbr.rel @p0 .LBB2_5-.Ltmp3, $2  }
0x82: {  	_ =	sdelay $0x2  }
0x83: {  	s25 =	sshra.s32 s26, $0x2;
	s26 =	sadd.s32 $0x200, s26;
	[tilespmem:s24+$0x30] =	vst v0  }
0x84: {  	v0 =	vld [tilespmem:s25+$0x3200];
	_ =	sdelay $0x3  }
0x85: {  	s24 =	sadd.s32 $0x100, s24  }
0x86: {  	[tilespmem:s24+$0xFFFFFF80] =	vst v0  }
0x87: {  	v0 =	vld [tilespmem:s25+$0x3210];
	_ =	sdelay $0x4  }
0x88: {  	[tilespmem:s24+$0xFFFFFF90] =	vst v0  }
0x89: {  	v0 =	vld [tilespmem:s25+$0x3220];
	_ =	sdelay $0x4  }
0x8a: {  	[tilespmem:s24+$0xFFFFFFA0] =	vst v0  }
0x8b: {  	v0 =	vld [tilespmem:s25+$0x3230];
	_ =	sdelay $0x4  }
0x8c: {  	[tilespmem:s24+$0xFFFFFFB0] =	vst v0  }
0x8d: {  	v0 =	vld [tilespmem:s25+$0x3240];
	_ =	sdelay $0x4  }
0x8e: {  	[tilespmem:s24+$0x0] =	vst v0  }
0x8f: {  	v0 =	vld [tilespmem:s25+$0x3250];
	_ =	sdelay $0x4  }
0x90: {  	[tilespmem:s24+$0x10] =	vst v0  }
0x91: {  	v0 =	vld [tilespmem:s25+$0x3260];
	_ =	sdelay $0x4  }
0x92: {  	[tilespmem:s24+$0x20] =	vst v0  }
0x93: {  	v0 =	vld [tilespmem:s25+$0x3270]  }
0x94: {  	s29 =	smul.u32 $0xC800, s23;
	_ =	sdelay $0x1  }
0x95: {  	p0 =	seq.s32 s21, $0x1F;
	s25 =	sshrl.u32 s29, $0x3  }
0x96: {  	s26 =	sadd.s32 @!p0 s22, s9;
	s25 =	sadd.s32 s2, s25  }
0x97: {  	s30 =	sadd.s32 $0xC80, s25;
	s25 =	smul.u32 @!p0 $0xC80, s26;
	[tilespmem:s24+$0x30] =	vst v0  }
0x98: {  	[hbm4b:s30+s4] =	stream.linear.scatter [tilespmem:s14], [sflag:$0x4], $0x6400, $0x38;
	[tilespmem:$0x19000] =	vst v63  }
0x99: {  	s24 =	sadd.s32 @!p0 s5, s25;
	s25 =	simm.s32 @!p0 $0x0  }
0x9a: {  	[tilespmem:s25], [sflag:$0x1] =	stream.linear.gather @!p0 [hbm4b:s24+s25], $0x6400, $0x38;
	[tilespmem:$0x19000] =	vst v63  }
0x9b: {  	_ =	swait.ge [sflag:s17], $0x6400  }
0x9c: {  	[sflag:s17] =	ssyncset.done $0x0  }
0x9d: {  	[sflag:s17] =	ssyncadd.s32 $0xFFFF9C00  }
0x9e: {  	_ =	swait.ge [sflag:s18], $0x6400  }
0x9f: {  	[sflag:s18] =	ssyncset.done $0x0  }
0xa0: {  	s31 =	simm.s32 $0x0;
	[sflag:s18] =	ssyncadd.s32 $0xFFFF9C00  }
0xa1: {  	v63 =	vld [tilespmem:s31+$0x6400];
	_ =	sdelay $0x3  }
0xa2: {  	s24 =	simm.s32 $0xC880  }
0xa3: {  	[tilespmem:s24+$0xFFFFFF80] =	vst v63  }
0xa4: {  	v0 =	vld [tilespmem:s31+$0x6410];
	_ =	sdelay $0x4  }
0xa5: {  	[tilespmem:s24+$0xFFFFFF90] =	vst v0  }
0xa6: {  	v0 =	vld [tilespmem:s31+$0x6420];
	_ =	sdelay $0x4  }
0xa7: {  	[tilespmem:s24+$0xFFFFFFA0] =	vst v0  }
0xa8: {  	v0 =	vld [tilespmem:s31+$0x6430];
	_ =	sdelay $0x4  }
0xa9: {  	[tilespmem:s24+$0xFFFFFFB0] =	vst v0  }
0xaa: {  	v0 =	vld [tilespmem:s31+$0x6440];
	_ =	sdelay $0x4  }
0xab: {  	[tilespmem:s24+$0x0] =	vst v0  }
0xac: {  	v0 =	vld [tilespmem:s31+$0x6450];
	_ =	sdelay $0x4  }
0xad: {  	[tilespmem:s24+$0x10] =	vst v0  }
0xae: {  	v0 =	vld [tilespmem:s31+$0x6460];
	_ =	sdelay $0x4  }
0xaf: {  	[tilespmem:s24+$0x20] =	vst v0  }
0xb0: {  	v0 =	vld [tilespmem:s31+$0x6470];
	_ =	sdelay $0x4  }
0xb1: {  	s26 =	simm.s32 $0x400;
	s25 =	simm.s32 $0x80;
	[tilespmem:s24+$0x30] =	vst v0  }
.LBB2_7:
0xb2: {  	p1 =	sne.s32 s26, $0xC600;
	v0 =	vld [tilespmem:s25+$0x6400];
	_ =	sdelay $0x3  }
0xb3: {  	s24 =	sadd.s32 $0x100, s24  }
0xb4: {  	[tilespmem:s24+$0xFFFFFF80] =	vst v0  }
0xb5: {  	v0 =	vld [tilespmem:s25+$0x6410];
	_ =	sdelay $0x4  }
0xb6: {  	[tilespmem:s24+$0xFFFFFF90] =	vst v0  }
0xb7: {  	v0 =	vld [tilespmem:s25+$0x6420];
	_ =	sdelay $0x4  }
0xb8: {  	[tilespmem:s24+$0xFFFFFFA0] =	vst v0  }
0xb9: {  	v0 =	vld [tilespmem:s25+$0x6430];
	_ =	sdelay $0x4  }
0xba: {  	[tilespmem:s24+$0xFFFFFFB0] =	vst v0  }
0xbb: {  	v0 =	vld [tilespmem:s25+$0x6440];
	_ =	sdelay $0x4  }
0xbc: {  	[tilespmem:s24+$0x0] =	vst v0  }
0xbd: {  	v0 =	vld [tilespmem:s25+$0x6450];
	_ =	sdelay $0x4  }
0xbe: {  	[tilespmem:s24+$0x10] =	vst v0  }
0xbf: {  	v0 =	vld [tilespmem:s25+$0x6460];
	_ =	sdelay $0x4  }
0xc0: {  	[tilespmem:s24+$0x20] =	vst v0  }
0xc1: {  	v0 =	vld [tilespmem:s25+$0x6470]  }
.Ltmp4:
0xc2: {  	(pc) =	sbr.rel @p1 .LBB2_7-.Ltmp4, $2  }
0xc3: {  	_ =	sdelay $0x2  }
0xc4: {  	s25 =	sshra.s32 s26, $0x2;
	s26 =	sadd.s32 $0x200, s26;
	[tilespmem:s24+$0x30] =	vst v0  }
0xc5: {  	v0 =	vld [tilespmem:s25+$0x6400];
	_ =	sdelay $0x3  }
0xc6: {  	s24 =	sadd.s32 $0x100, s24  }
0xc7: {  	[tilespmem:s24+$0xFFFFFF80] =	vst v0  }
0xc8: {  	v0 =	vld [tilespmem:s25+$0x6410];
	_ =	sdelay $0x4  }
0xc9: {  	[tilespmem:s24+$0xFFFFFF90] =	vst v0  }
0xca: {  	v0 =	vld [tilespmem:s25+$0x6420];
	_ =	sdelay $0x4  }
0xcb: {  	[tilespmem:s24+$0xFFFFFFA0] =	vst v0  }
0xcc: {  	v0 =	vld [tilespmem:s25+$0x6430];
	_ =	sdelay $0x4  }
0xcd: {  	[tilespmem:s24+$0xFFFFFFB0] =	vst v0  }
0xce: {  	v0 =	vld [tilespmem:s25+$0x6440];
	_ =	sdelay $0x4  }
0xcf: {  	[tilespmem:s24+$0x0] =	vst v0  }
0xd0: {  	v0 =	vld [tilespmem:s25+$0x6450];
	_ =	sdelay $0x4  }
0xd1: {  	[tilespmem:s24+$0x10] =	vst v0  }
0xd2: {  	v0 =	vld [tilespmem:s25+$0x6460];
	_ =	sdelay $0x4  }
0xd3: {  	[tilespmem:s24+$0x20] =	vst v0  }
0xd4: {  	v0 =	vld [tilespmem:s25+$0x6470];
	_ =	sdelay $0x1  }
0xd5: {  	s23 =	sor.u32 $0x1, s23  }
0xd6: {  	s28 =	smul.u32 $0x1900, s23;
	_ =	sdelay $0x1  }
0xd7: {  	s30 =	simm.s32 $0x0;
	s29 =	sadd.s32 s2, s28;
	[tilespmem:s24+$0x30] =	vst v0  }
0xd8: {  	[hbm4b:s29+s30] =	stream.linear.scatter [tilespmem:s12], [sflag:$0x3], $0x6400, $0x38;
	[tilespmem:$0x19000] =	vst v63  }
0xd9: {  	_ =	swait.ge [sflag:s19], $0x6400  }
0xda: {  	[sflag:s19] =	ssyncset.done $0x0  }
0xdb: {  	s31 =	simm.s32 $0x0;
	[sflag:s19] =	ssyncadd.s32 $0xFFFF9C00  }
0xdc: {  	v63 =	vld [tilespmem:s31+$0x9600];
	_ =	sdelay $0x3  }
0xdd: {  	s24 =	simm.s32 $0x12C80  }
0xde: {  	[tilespmem:s24+$0xFFFFFF80] =	vst v63  }
0xdf: {  	v0 =	vld [tilespmem:s31+$0x9610];
	_ =	sdelay $0x4  }
0xe0: {  	[tilespmem:s24+$0xFFFFFF90] =	vst v0  }
0xe1: {  	v0 =	vld [tilespmem:s31+$0x9620];
	_ =	sdelay $0x4  }
0xe2: {  	[tilespmem:s24+$0xFFFFFFA0] =	vst v0  }
0xe3: {  	v0 =	vld [tilespmem:s31+$0x9630];
	_ =	sdelay $0x4  }
0xe4: {  	[tilespmem:s24+$0xFFFFFFB0] =	vst v0  }
0xe5: {  	v0 =	vld [tilespmem:s31+$0x9640];
	_ =	sdelay $0x4  }
0xe6: {  	[tilespmem:s24+$0x0] =	vst v0  }
0xe7: {  	v0 =	vld [tilespmem:s31+$0x9650];
	_ =	sdelay $0x4  }
0xe8: {  	[tilespmem:s24+$0x10] =	vst v0  }
0xe9: {  	v0 =	vld [tilespmem:s31+$0x9660];
	_ =	sdelay $0x4  }
0xea: {  	[tilespmem:s24+$0x20] =	vst v0  }
0xeb: {  	v0 =	vld [tilespmem:s31+$0x9670];
	_ =	sdelay $0x4  }
0xec: {  	s26 =	simm.s32 $0x400;
	s25 =	simm.s32 $0x80;
	[tilespmem:s24+$0x30] =	vst v0  }
.LBB2_9:
0xed: {  	p1 =	sne.s32 s26, $0xC600;
	v0 =	vld [tilespmem:s25+$0x9600];
	_ =	sdelay $0x3  }
0xee: {  	s24 =	sadd.s32 $0x100, s24  }
0xef: {  	[tilespmem:s24+$0xFFFFFF80] =	vst v0  }
0xf0: {  	v0 =	vld [tilespmem:s25+$0x9610];
	_ =	sdelay $0x4  }
0xf1: {  	[tilespmem:s24+$0xFFFFFF90] =	vst v0  }
0xf2: {  	v0 =	vld [tilespmem:s25+$0x9620];
	_ =	sdelay $0x4  }
0xf3: {  	[tilespmem:s24+$0xFFFFFFA0] =	vst v0  }
0xf4: {  	v0 =	vld [tilespmem:s25+$0x9630];
	_ =	sdelay $0x4  }
0xf5: {  	[tilespmem:s24+$0xFFFFFFB0] =	vst v0  }
0xf6: {  	v0 =	vld [tilespmem:s25+$0x9640];
	_ =	sdelay $0x4  }
0xf7: {  	[tilespmem:s24+$0x0] =	vst v0  }
0xf8: {  	v0 =	vld [tilespmem:s25+$0x9650];
	_ =	sdelay $0x4  }
0xf9: {  	[tilespmem:s24+$0x10] =	vst v0  }
0xfa: {  	v0 =	vld [tilespmem:s25+$0x9660];
	_ =	sdelay $0x4  }
0xfb: {  	[tilespmem:s24+$0x20] =	vst v0  }
0xfc: {  	v0 =	vld [tilespmem:s25+$0x9670]  }
.Ltmp5:
0xfd: {  	(pc) =	sbr.rel @p1 .LBB2_9-.Ltmp5, $2  }
0xfe: {  	_ =	sdelay $0x2  }
0xff: {  	s25 =	sshra.s32 s26, $0x2;
	s26 =	sadd.s32 $0x200, s26;
	[tilespmem:s24+$0x30] =	vst v0  }
0x100: {  	v0 =	vld [tilespmem:s25+$0x9600];
	_ =	sdelay $0x3  }
0x101: {  	s24 =	sadd.s32 $0x100, s24  }
0x102: {  	[tilespmem:s24+$0xFFFFFF80] =	vst v0  }
0x103: {  	v0 =	vld [tilespmem:s25+$0x9610];
	_ =	sdelay $0x4  }
0x104: {  	[tilespmem:s24+$0xFFFFFF90] =	vst v0  }
0x105: {  	v0 =	vld [tilespmem:s25+$0x9620];
	_ =	sdelay $0x4  }
0x106: {  	[tilespmem:s24+$0xFFFFFFA0] =	vst v0  }
0x107: {  	v0 =	vld [tilespmem:s25+$0x9630];
	_ =	sdelay $0x4  }
0x108: {  	[tilespmem:s24+$0xFFFFFFB0] =	vst v0  }
0x109: {  	v0 =	vld [tilespmem:s25+$0x9640];
	_ =	sdelay $0x4  }
0x10a: {  	[tilespmem:s24+$0x0] =	vst v0  }
0x10b: {  	v0 =	vld [tilespmem:s25+$0x9650];
	_ =	sdelay $0x4  }
0x10c: {  	[tilespmem:s24+$0x10] =	vst v0  }
0x10d: {  	v0 =	vld [tilespmem:s25+$0x9660];
	_ =	sdelay $0x4  }
0x10e: {  	[tilespmem:s24+$0x20] =	vst v0  }
0x10f: {  	v0 =	vld [tilespmem:s25+$0x9670]  }
0x110: {  	s23 =	smul.u32 $0xC800, s23  }
.Ltmp6:
0x111: {  	_ = 	snop;
	(pc) =	sbr.rel @p0 .LBB2_12-.Ltmp6, $4  }
0x112: {  	s23 =	sshrl.u32 s23, $0x3  }
0x113: {  	s23 =	sadd.s32 s2, s23  }
0x114: {  	s23 =	sadd.s32 $0xC80, s23;
	[tilespmem:s24+$0x30] =	vst v0  }
0x115: {  	[hbm4b:s23+s4] =	stream.linear.scatter [tilespmem:s14], [sflag:$0x4], $0x6400, $0x38;
	[tilespmem:$0x19000] =	vst v63  }
.Ltmp7:
0x116: {  	s22 =	sadd.s32 s22, s10;
	(pc) =	sbr.rel .LBB2_2-.Ltmp7, $3  }
0x117: {  	s22 =	smul.u32 $0xC80, s22;
	_ =	sdelay $0x1  }
0x118: {  	s21 =	sadd.s32 $0x1, s21;
	s22 =	sadd.s32 s5, s22  }
0x119: {  	[tilespmem:s15], [sflag:$0x2] =	stream.linear.gather [hbm4b:s22+s4], $0x6400, $0x38;
	[tilespmem:$0x19000] =	vst v63  }
.LBB2_13:
0x11a: {  	_ =	sfence.sel $0x180000  }
0x11b: {  	[bflag:$0x0] =	sbarrier.arrive $0xFFFF  }
0x11c: {  	p0 =	sne.s32 s0, $0x0;
	_ =	strace $0x90000047  }
0x11d: {  	s0 =	sadd.s32 @!p0 $0x100000, s1;
	[bflag:$0x2] =	sbarrier.arrive $0xFFFF  }
0x11e: {  	[sflag:s0] =	ssyncadd.tile.s32 @!p0 $0x1;
	_ =	shalt  }
.Lfunc_end2:
_tile_overlayer_lowered:
.L_overlay_start_2:
0x11f: {  	(tag) =	ssettag $0x2  }
0x120: {  	s0 =	rddreg [dreg:$0x0];
	s2 =	stileid.u32  }
0x121: {  	s1 =	rddreg [dreg:$0x1];
	p0 =	sne.s32 s2, $0x0  }
0x122: {  	s3 =	rddreg [dreg:$0x2];
	[bflag:$0x3] =	sbarrier.arrive $0xFFFF;
	s2 =	simm.s32 @!p0 $0x1C05  }
0x123: {  	[timem:s3], [sflag:s2] =	dma.local @!p0 [hbm:s0], s1  }
0x124: {  	s0 =	simm.s32 @!p0 $0x5  }
0x125: {  	_ =	swait.ge @!p0 [sflag:s0], s1  }
0x126: {  	s1 =	ssub.s32 @!p0 $0x0, s1;
	[sflag:s0] =	ssyncset.done @!p0 $0x0  }
0x127: {  	[sflag:s0] =	ssyncadd.s32 @!p0 s1  }
0x128: {  	[bflag:$0x3] =	sbarrier.arrive $0xFFFF  }
0x129: {  	_ =	shalt  }

</sc_bundles>
